<compile_context>
chip_gen: v7x
topology: tpu7x:2x2x1
jax: 0.10.2.dev20260603
libtpu: 0.0.44.dev20260713+nightly
codegen_flags: <defaults>
</compile_context>

<pallas_src>
import jax
import jax.numpy as jnp
from jax.experimental import pallas as pl
from jax.experimental.pallas import tpu as pltpu
from jax.experimental.pallas import tpu_sc as plsc

LANES = 128


def kernel(input_ids, weight):
    B, T = input_ids.shape
    D = weight.shape[1]
    ids = input_ids.astype(jnp.int32)
    wp = jnp.pad(weight, ((0, 0), (0, LANES - D)))

    mesh = plsc.VectorSubcoreMesh(core_axis_name="core", subcore_axis_name="subcore")

    @pl.kernel(
        out_type=jax.ShapeDtypeStruct((B, T, LANES), weight.dtype),
        mesh=mesh,
    )
    def gather_kernel(w_hbm, i_hbm, o_hbm):
        def body(i0_vmem, i1_vmem, o0_vmem, o1_vmem):
            pltpu.sync_copy(w_hbm.at[i0_vmem.at[0]], o0_vmem.at[0])
            pltpu.sync_copy(w_hbm.at[i1_vmem.at[0]], o1_vmem.at[0])

        pltpu.emit_pipeline(
            body,
            grid=(B // 2,),
            in_specs=[
                pl.BlockSpec((1, T), index_map=lambda i: (2 * i, 0)),
                pl.BlockSpec((1, T), index_map=lambda i: (2 * i + 1, 0)),
            ],
            out_specs=[
                pl.BlockSpec((1, T, LANES), index_map=lambda i: (2 * i, 0, 0)),
                pl.BlockSpec((1, T, LANES), index_map=lambda i: (2 * i + 1, 0, 0)),
            ],
            core_axis_name=("core", "subcore"),
            dimension_semantics=(pltpu.PARALLEL,),
        )(i_hbm, i_hbm, o_hbm, o_hbm)

    return gather_kernel(wp, ids)[:, :, :D]

# --- scband reference (transcript-rebuilt; emitter-appended) ---
"""Pipeline reference for scband-dummy-embeddings-50448685859322 (READ-ONLY COPY).

The authoritative reference and input builder live on the scoring server;
editing this copy changes nothing except your own understanding.
"""

import jax, jax.numpy as jnp
import numpy as np

VOCAB_SIZE = 1000000
HIDDEN_SIZE = 64


def setup_inputs(seed: int = 0) -> dict:
    key = jax.random.key(seed)
    k_idx, k_w = jax.random.split(key)
    input_ids = jax.random.randint(k_idx, (4096, 200), 0, VOCAB_SIZE, dtype=jnp.int64 if jax.config.jax_enable_x64 else jnp.int32)
    weight = jax.random.normal(k_w, (VOCAB_SIZE, HIDDEN_SIZE), dtype=jnp.float32)
    return {"input_ids": input_ids, "weight": weight}


def reference(input_ids, weight):
    # Faithful translation of: self.weight[input_ids]
    return jnp.take(weight, input_ids, axis=0)

if __name__ == "__main__":
    import jax
    _d = setup_inputs()
    print(jax.jit(kernel)(*tuple(_d.values())))

</pallas_src>

<mosaic_0001>
#map = affine_map<(d0, d1) -> (0, 0)>
#map1 = affine_map<(d0, d1) -> (0, 0, 0)>
module attributes {stable_mosaic.version = 14 : i64} {
  func.func @gather_kernel(%arg0: i32, %arg1: i32, %arg2: memref<1000000x128xf32, #tpu.memory_space<hbm>>, %arg3: memref<4096x200xi32, #tpu.memory_space<hbm>>, %arg4: memref<4096x200x128xf32, #tpu.memory_space<hbm>>) attributes {dimension_semantics = [#tpu.dimension_semantics<core_parallel>, #tpu.dimension_semantics<subcore_parallel>], iteration_bounds = array<i64: 2, 16>, scalar_prefetch = 0 : i64, scratch_operands = 0 : i64, tpu.core_type = #tpu.core_type<sc_vector_subcore>, window_params = [{transform_indices = #map}, {transform_indices = #map}, {transform_indices = #map1}]} {
    %mul3A = arith.constant 1 : i32
    %mul3A_0 = arith.muli %arg1, %mul3A : i32
    %add3A = arith.constant 0 : i32
    %add3A_1 = arith.addi %add3A, %mul3A_0 : i32
    %mul3A_2 = arith.constant 16 : i32
    %mul3A_3 = arith.muli %arg0, %mul3A_2 : i32
    %add3A_4 = arith.addi %add3A_1, %mul3A_3 : i32
    %mul3A_5 = arith.constant 64 : i32
    %mul3A_6 = arith.muli %add3A_4, %mul3A_5 : i32
    "tpu.region"() ({
      %run_scoped3A = memref.alloca() : memref<2x1x200xi32, #tpu.memory_space<vmem>>
      %run_scoped3A_7 = tpu.sem_alloc : memref<2x!tpu.dma_semaphore, #tpu.memory_space<semaphore_mem>>
      %run_scoped3A_8 = memref.alloca() : memref<2x1x200xi32, #tpu.memory_space<vmem>>
      %run_scoped3A_9 = tpu.sem_alloc : memref<2x!tpu.dma_semaphore, #tpu.memory_space<semaphore_mem>>
      %run_scoped3A_10 = memref.alloca() : memref<2x1x200x128xf32, #tpu.memory_space<vmem>>
      %run_scoped3A_11 = tpu.sem_alloc : memref<2x!tpu.dma_semaphore, #tpu.memory_space<semaphore_mem>>
      %run_scoped3A_12 = memref.alloca() : memref<2x1x200x128xf32, #tpu.memory_space<vmem>>
      %run_scoped3A_13 = tpu.sem_alloc : memref<2x!tpu.dma_semaphore, #tpu.memory_space<semaphore_mem>>
      %add3A_14 = arith.constant 0 : i32
      %add3A_15 = arith.addi %add3A_14, %mul3A_6 : i32
      %select_n3A = arith.constant true
      %select_n3A_16 = arith.constant 0 : i32
      %select_n3A_17 = arith.constant -1 : i32
      %select_n3A_18 = arith.select %select_n3A, %select_n3A_17, %select_n3A_16 : i32
      %eq3A = arith.constant -1 : i32
      %eq3A_19 = arith.cmpi eq, %select_n3A_18, %eq3A : i32
      %select_n3A_20 = arith.constant 63 : i32
      %select_n3A_21 = arith.select %eq3A_19, %select_n3A_20, %select_n3A_18 : i32
      %add3A_22 = arith.addi %select_n3A_21, %mul3A_6 : i32
      %select_n3A_23 = arith.constant true
      %select_n3A_24 = arith.constant 0 : i32
      %select_n3A_25 = arith.constant 1 : i32
      %select_n3A_26 = arith.select %select_n3A_23, %select_n3A_25, %select_n3A_24 : i32
      %eq3A_27 = arith.constant 64 : i32
      %eq3A_28 = arith.cmpi eq, %select_n3A_26, %eq3A_27 : i32
      %select_n3A_29 = arith.constant 0 : i32
      %select_n3A_30 = arith.select %eq3A_28, %select_n3A_29, %select_n3A_26 : i32
      %add3A_31 = arith.addi %select_n3A_30, %mul3A_6 : i32
      %add3A_32 = arith.constant 1 : i32
      %add3A_33 = arith.addi %select_n3A_30, %add3A_32 : i32
      %select_n3A_34 = arith.constant true
      %select_n3A_35 = arith.select %select_n3A_34, %add3A_33, %select_n3A_30 : i32
      %eq3A_36 = arith.constant 64 : i32
      %eq3A_37 = arith.cmpi eq, %select_n3A_35, %eq3A_36 : i32
      %select_n3A_38 = arith.constant 0 : i32
      %select_n3A_39 = arith.select %eq3A_37, %select_n3A_38, %select_n3A_35 : i32
      %add3A_40 = arith.addi %select_n3A_39, %mul3A_6 : i32
      "tpu.trace_start"() <{level = 10 : i32, message = "ep_initialize_0"}> : () -> ()
      %rem3A = arith.constant 0 : i32
      %rem3A_41 = arith.constant 2 : i32
      %rem3A_42 = arith.remui %rem3A, %rem3A_41 : i32
      %mul3A_43 = arith.constant 2 : i32
      %mul3A_44 = arith.muli %mul3A_43, %add3A_15 : i32
      %mul3A_45 = arith.constant 1 : i32
      %mul3A_46 = arith.muli %mul3A_45, %mul3A_44 : i32
      %dma_start3A = arith.constant 0 : i32
      %dma_start3A_47 = arith.constant 0 : i32
      %dma_start3A_48 = tpu.memref_slice %run_scoped3A[%rem3A_42, %dma_start3A, %dma_start3A_47] : memref<2x1x200xi32, #tpu.memory_space<vmem>> -> memref<1x1x200xi32, #tpu.memory_space<vmem>>
      %dma_start3A_49 = tpu.memref_squeeze %dma_start3A_48 : memref<1x1x200xi32, #tpu.memory_space<vmem>> -> memref<1x200xi32, #tpu.memory_space<vmem>>
      %dma_start3A_50 = arith.constant 0 : i32
      %dma_start3A_51 = tpu.memref_slice %arg3[%mul3A_46, %dma_start3A_50] : memref<4096x200xi32, #tpu.memory_space<hbm>> -> memref<1x200xi32, #tpu.memory_space<hbm>>
      %dma_start3A_52 = tpu.memref_slice %run_scoped3A_7[%rem3A_42] : memref<2x!tpu.dma_semaphore, #tpu.memory_space<semaphore_mem>> -> memref<1x!tpu.dma_semaphore, #tpu.memory_space<semaphore_mem>>
      %dma_start3A_53 = tpu.memref_squeeze %dma_start3A_52 : memref<1x!tpu.dma_semaphore, #tpu.memory_space<semaphore_mem>> -> memref<!tpu.dma_semaphore, #tpu.memory_space<semaphore_mem>>
      %dma_start3A_54 = arith.constant 0 : i32
      %dma_start3A_55 = arith.constant 0 : i32
      %dma_start3A_56 = tpu.memref_slice %run_scoped3A[%rem3A_42, %dma_start3A_54, %dma_start3A_55] : memref<2x1x200xi32, #tpu.memory_space<vmem>> -> memref<1x1x200xi32, #tpu.memory_space<vmem>>
      %dma_start3A_57 = tpu.memref_squeeze %dma_start3A_56 : memref<1x1x200xi32, #tpu.memory_space<vmem>> -> memref<1x200xi32, #tpu.memory_space<vmem>>
      %dma_start3A_58 = arith.constant 0 : i32
      %dma_start3A_59 = tpu.memref_slice %arg3[%mul3A_46, %dma_start3A_58] : memref<4096x200xi32, #tpu.memory_space<hbm>> -> memref<1x200xi32, #tpu.memory_space<hbm>>
      tpu.enqueue_dma source(%dma_start3A_59 : memref<1x200xi32, #tpu.memory_space<hbm>>) target(%dma_start3A_57 : memref<1x200xi32, #tpu.memory_space<vmem>>) target_semaphore(%dma_start3A_53 : memref<!tpu.dma_semaphore, #tpu.memory_space<semaphore_mem>>)
      %add3A_60 = arith.constant 0 : i32
      %add3A_61 = arith.constant 1 : i32
      %add3A_62 = arith.addi %add3A_60, %add3A_61 : i32
      %select_n3A_63 = arith.constant true
      %select_n3A_64 = arith.constant 0 : i32
      %select_n3A_65 = arith.select %select_n3A_63, %add3A_62, %select_n3A_64 : i32
      %rem3A_66 = arith.constant 0 : i32
      %rem3A_67 = arith.constant 2 : i32
      %rem3A_68 = arith.remui %rem3A_66, %rem3A_67 : i32
      %mul3A_69 = arith.constant 2 : i32
      %mul3A_70 = arith.muli %mul3A_69, %add3A_15 : i32
      %add3A_71 = arith.constant 1 : i32
      %add3A_72 = arith.addi %mul3A_70, %add3A_71 : i32
      %mul3A_73 = arith.constant 1 : i32
      %mul3A_74 = arith.muli %mul3A_73, %add3A_72 : i32
      %dma_start3A_75 = arith.constant 0 : i32
      %dma_start3A_76 = arith.constant 0 : i32
      %dma_start3A_77 = tpu.memref_slice %run_scoped3A_8[%rem3A_68, %dma_start3A_75, %dma_start3A_76] : memref<2x1x200xi32, #tpu.memory_space<vmem>> -> memref<1x1x200xi32, #tpu.memory_space<vmem>>
      %dma_start3A_78 = tpu.memref_squeeze %dma_start3A_77 : memref<1x1x200xi32, #tpu.memory_space<vmem>> -> memref<1x200xi32, #tpu.memory_space<vmem>>
      %dma_start3A_79 = arith.constant 0 : i32
      %dma_start3A_80 = tpu.memref_slice %arg3[%mul3A_74, %dma_start3A_79] : memref<4096x200xi32, #tpu.memory_space<hbm>> -> memref<1x200xi32, #tpu.memory_space<hbm>>
      %dma_start3A_81 = tpu.memref_slice %run_scoped3A_9[%rem3A_68] : memref<2x!tpu.dma_semaphore, #tpu.memory_space<semaphore_mem>> -> memref<1x!tpu.dma_semaphore, #tpu.memory_space<semaphore_mem>>
      %dma_start3A_82 = tpu.memref_squeeze %dma_start3A_81 : memref<1x!tpu.dma_semaphore, #tpu.memory_space<semaphore_mem>> -> memref<!tpu.dma_semaphore, #tpu.memory_space<semaphore_mem>>
      %dma_start3A_83 = arith.constant 0 : i32
      %dma_start3A_84 = arith.constant 0 : i32
      %dma_start3A_85 = tpu.memref_slice %run_scoped3A_8[%rem3A_68, %dma_start3A_83, %dma_start3A_84] : memref<2x1x200xi32, #tpu.memory_space<vmem>> -> memref<1x1x200xi32, #tpu.memory_space<vmem>>
      %dma_start3A_86 = tpu.memref_squeeze %dma_start3A_85 : memref<1x1x200xi32, #tpu.memory_space<vmem>> -> memref<1x200xi32, #tpu.memory_space<vmem>>
      %dma_start3A_87 = arith.constant 0 : i32
      %dma_start3A_88 = tpu.memref_slice %arg3[%mul3A_74, %dma_start3A_87] : memref<4096x200xi32, #tpu.memory_space<hbm>> -> memref<1x200xi32, #tpu.memory_space<hbm>>
      tpu.enqueue_dma source(%dma_start3A_88 : memref<1x200xi32, #tpu.memory_space<hbm>>) target(%dma_start3A_86 : memref<1x200xi32, #tpu.memory_space<vmem>>) target_semaphore(%dma_start3A_82 : memref<!tpu.dma_semaphore, #tpu.memory_space<semaphore_mem>>)
      %add3A_89 = arith.constant 0 : i32
      %add3A_90 = arith.constant 1 : i32
      %add3A_91 = arith.addi %add3A_89, %add3A_90 : i32
      %select_n3A_92 = arith.constant true
      %select_n3A_93 = arith.constant 0 : i32
      %select_n3A_94 = arith.select %select_n3A_92, %add3A_91, %select_n3A_93 : i32
      "tpu.trace_stop"() : () -> ()
      %scan3A = arith.constant 0 : i32
      %scan3A_95 = arith.constant 0 : i32
      %scan3A_96 = arith.constant 0 : i32
      %scan3A_97 = arith.constant 0 : i32
      %scan3A_98 = arith.constant 0 : i32
      %scan3A_99 = arith.constant 0 : i32
      %scan3A_100 = arith.constant 0 : i32
      %scan3A_101 = arith.constant 0 : i32
      %scan3A_102 = arith.constant 64 : i32
      %scan3A_103 = arith.addi %scan3A_101, %scan3A_102 : i32
      %scan3A_104 = arith.constant 1 : i32
      %scan3A_105:9 = scf.for %scan3A_191 = %scan3A_101 to %scan3A_103 step %scan3A_104 iter_args(%scan3A_192 = %select_n3A_65, %scan3A_193 = %scan3A, %scan3A_194 = %select_n3A_94, %scan3A_195 = %scan3A_95, %scan3A_196 = %scan3A_96, %scan3A_197 = %scan3A_97, %scan3A_198 = %scan3A_98, %scan3A_199 = %scan3A_99, %scan3A_200 = %scan3A_100) -> (i32, i32, i32, i32, i32, i32, i32, i32, i32)  : i32 {
        %eq3A_201 = arith.constant 0 : i32
        %eq3A_202 = arith.cmpi eq, %scan3A_191, %eq3A_201 : i32
        %eq3A_203 = arith.constant 63 : i32
        %eq3A_204 = arith.cmpi eq, %scan3A_191, %eq3A_203 : i32
        %add3A_205 = arith.addi %scan3A_200, %mul3A_6 : i32
        %sub3A_206 = arith.constant 1 : i32
        %sub3A_207 = arith.subi %scan3A_200, %sub3A_206 : i32
        %select_n3A_208 = arith.constant true
        %select_n3A_209 = arith.select %select_n3A_208, %sub3A_207, %scan3A_200 : i32
        %eq3A_210 = arith.constant -1 : i32
        %eq3A_211 = arith.cmpi eq, %select_n3A_209, %eq3A_210 : i32
        %select_n3A_212 = arith.constant 63 : i32
        %select_n3A_213 = arith.select %eq3A_211, %select_n3A_212, %select_n3A_209 : i32
        %add3A_214 = arith.addi %select_n3A_213, %mul3A_6 : i32
        %add3A_215 = arith.constant 1 : i32
        %add3A_216 = arith.addi %scan3A_200, %add3A_215 : i32
        %select_n3A_217 = arith.constant true
        %select_n3A_218 = arith.select %select_n3A_217, %add3A_216, %scan3A_200 : i32
        %eq3A_219 = arith.constant 64 : i32
        %eq3A_220 = arith.cmpi eq, %select_n3A_218, %eq3A_219 : i32
        %select_n3A_221 = arith.constant 0 : i32
        %select_n3A_222 = arith.select %eq3A_220, %select_n3A_221, %select_n3A_218 : i32
        %add3A_223 = arith.addi %select_n3A_222, %mul3A_6 : i32
        %add3A_224 = arith.constant 1 : i32
        %add3A_225 = arith.addi %select_n3A_222, %add3A_224 : i32
        %select_n3A_226 = arith.constant true
        %select_n3A_227 = arith.select %select_n3A_226, %add3A_225, %select_n3A_222 : i32
        %eq3A_228 = arith.constant 64 : i32
        %eq3A_229 = arith.cmpi eq, %select_n3A_227, %eq3A_228 : i32
        %select_n3A_230 = arith.constant 0 : i32
        %select_n3A_231 = arith.select %eq3A_229, %select_n3A_230, %select_n3A_227 : i32
        %add3A_232 = arith.addi %select_n3A_231, %mul3A_6 : i32
        %mul3A_233 = arith.constant 2 : i32
        %mul3A_234 = arith.muli %mul3A_233, %add3A_205 : i32
        %mul3A_235 = arith.constant 2 : i32
        %mul3A_236 = arith.muli %mul3A_235, %add3A_223 : i32
        %ne3A = arith.cmpi ne, %mul3A_234, %mul3A_236 : i32
        %or3A = arith.constant false
        %or3A_237 = arith.ori %or3A, %ne3A : i1
        %or3A_238 = arith.constant false
        %or3A_239 = arith.ori %or3A_237, %or3A_238 : i1
        %ge3A = arith.constant 63 : i32
        %ge3A_240 = arith.cmpi sge, %scan3A_191, %ge3A : i32
        %not3A = arith.constant true
        %not3A_241 = arith.xori %ge3A_240, %not3A : i1
        %and3A = arith.andi %or3A_239, %not3A_241 : i1
        %convert_element_type3A = arith.extui %and3A : i1 to i32
        %cond3A = arith.constant 0 : i32
        %cond3A_242 = arith.cmpi ne, %convert_element_type3A, %cond3A : i32
        scf.if %cond3A_242 {
          "tpu.trace_start"() <{level = 10 : i32, message = "ep_copy_in"}> : () -> ()
          %rem3A_588 = arith.constant 2 : i32
          %rem3A_589 = arith.remui %scan3A_192, %rem3A_588 : i32
          %mul3A_590 = arith.constant 2 : i32
          %mul3A_591 = arith.muli %mul3A_590, %add3A_223 : i32
          %mul3A_592 = arith.constant 1 : i32
          %mul3A_593 = arith.muli %mul3A_592, %mul3A_591 : i32
          %dma_start3A_594 = arith.constant 0 : i32
          %dma_start3A_595 = arith.constant 0 : i32
          %dma_start3A_596 = tpu.memref_slice %run_scoped3A[%rem3A_589, %dma_start3A_594, %dma_start3A_595] : memref<2x1x200xi32, #tpu.memory_space<vmem>> -> memref<1x1x200xi32, #tpu.memory_space<vmem>>
          %dma_start3A_597 = tpu.memref_squeeze %dma_start3A_596 : memref<1x1x200xi32, #tpu.memory_space<vmem>> -> memref<1x200xi32, #tpu.memory_space<vmem>>
          %dma_start3A_598 = arith.constant 0 : i32
          %dma_start3A_599 = tpu.memref_slice %arg3[%mul3A_593, %dma_start3A_598] : memref<4096x200xi32, #tpu.memory_space<hbm>> -> memref<1x200xi32, #tpu.memory_space<hbm>>
          %dma_start3A_600 = tpu.memref_slice %run_scoped3A_7[%rem3A_589] : memref<2x!tpu.dma_semaphore, #tpu.memory_space<semaphore_mem>> -> memref<1x!tpu.dma_semaphore, #tpu.memory_space<semaphore_mem>>
          %dma_start3A_601 = tpu.memref_squeeze %dma_start3A_600 : memref<1x!tpu.dma_semaphore, #tpu.memory_space<semaphore_mem>> -> memref<!tpu.dma_semaphore, #tpu.memory_space<semaphore_mem>>
          %dma_start3A_602 = arith.constant 0 : i32
          %dma_start3A_603 = arith.constant 0 : i32
          %dma_start3A_604 = tpu.memref_slice %run_scoped3A[%rem3A_589, %dma_start3A_602, %dma_start3A_603] : memref<2x1x200xi32, #tpu.memory_space<vmem>> -> memref<1x1x200xi32, #tpu.memory_space<vmem>>
          %dma_start3A_605 = tpu.memref_squeeze %dma_start3A_604 : memref<1x1x200xi32, #tpu.memory_space<vmem>> -> memref<1x200xi32, #tpu.memory_space<vmem>>
          %dma_start3A_606 = arith.constant 0 : i32
          %dma_start3A_607 = tpu.memref_slice %arg3[%mul3A_593, %dma_start3A_606] : memref<4096x200xi32, #tpu.memory_space<hbm>> -> memref<1x200xi32, #tpu.memory_space<hbm>>
          tpu.enqueue_dma source(%dma_start3A_607 : memref<1x200xi32, #tpu.memory_space<hbm>>) target(%dma_start3A_605 : memref<1x200xi32, #tpu.memory_space<vmem>>) target_semaphore(%dma_start3A_601 : memref<!tpu.dma_semaphore, #tpu.memory_space<semaphore_mem>>)
          "tpu.trace_stop"() : () -> ()
        } else {
        }
        %and3A_243 = arith.constant true
        %and3A_244 = arith.andi %and3A, %and3A_243 : i1
        %add3A_245 = arith.constant 1 : i32
        %add3A_246 = arith.addi %scan3A_192, %add3A_245 : i32
        %select_n3A_247 = arith.select %and3A_244, %add3A_246, %scan3A_192 : i32
        %mul3A_248 = arith.constant 2 : i32
        %mul3A_249 = arith.muli %mul3A_248, %add3A_205 : i32
        %add3A_250 = arith.constant 1 : i32
        %add3A_251 = arith.addi %mul3A_249, %add3A_250 : i32
        %mul3A_252 = arith.constant 2 : i32
        %mul3A_253 = arith.muli %mul3A_252, %add3A_223 : i32
        %add3A_254 = arith.constant 1 : i32
        %add3A_255 = arith.addi %mul3A_253, %add3A_254 : i32
        %ne3A_256 = arith.cmpi ne, %add3A_251, %add3A_255 : i32
        %or3A_257 = arith.constant false
        %or3A_258 = arith.ori %or3A_257, %ne3A_256 : i1
        %or3A_259 = arith.constant false
        %or3A_260 = arith.ori %or3A_258, %or3A_259 : i1
        %ge3A_261 = arith.constant 63 : i32
        %ge3A_262 = arith.cmpi sge, %scan3A_191, %ge3A_261 : i32
        %not3A_263 = arith.constant true
        %not3A_264 = arith.xori %ge3A_262, %not3A_263 : i1
        %and3A_265 = arith.andi %or3A_260, %not3A_264 : i1
        %convert_element_type3A_266 = arith.extui %and3A_265 : i1 to i32
        %cond3A_267 = arith.constant 0 : i32
        %cond3A_268 = arith.cmpi ne, %convert_element_type3A_266, %cond3A_267 : i32
        scf.if %cond3A_268 {
          "tpu.trace_start"() <{level = 10 : i32, message = "ep_copy_in"}> : () -> ()
          %rem3A_588 = arith.constant 2 : i32
          %rem3A_589 = arith.remui %scan3A_194, %rem3A_588 : i32
          %mul3A_590 = arith.constant 2 : i32
          %mul3A_591 = arith.muli %mul3A_590, %add3A_223 : i32
          %add3A_592 = arith.constant 1 : i32
          %add3A_593 = arith.addi %mul3A_591, %add3A_592 : i32
          %mul3A_594 = arith.constant 1 : i32
          %mul3A_595 = arith.muli %mul3A_594, %add3A_593 : i32
          %dma_start3A_596 = arith.constant 0 : i32
          %dma_start3A_597 = arith.constant 0 : i32
          %dma_start3A_598 = tpu.memref_slice %run_scoped3A_8[%rem3A_589, %dma_start3A_596, %dma_start3A_597] : memref<2x1x200xi32, #tpu.memory_space<vmem>> -> memref<1x1x200xi32, #tpu.memory_space<vmem>>
          %dma_start3A_599 = tpu.memref_squeeze %dma_start3A_598 : memref<1x1x200xi32, #tpu.memory_space<vmem>> -> memref<1x200xi32, #tpu.memory_space<vmem>>
          %dma_start3A_600 = arith.constant 0 : i32
          %dma_start3A_601 = tpu.memref_slice %arg3[%mul3A_595, %dma_start3A_600] : memref<4096x200xi32, #tpu.memory_space<hbm>> -> memref<1x200xi32, #tpu.memory_space<hbm>>
          %dma_start3A_602 = tpu.memref_slice %run_scoped3A_9[%rem3A_589] : memref<2x!tpu.dma_semaphore, #tpu.memory_space<semaphore_mem>> -> memref<1x!tpu.dma_semaphore, #tpu.memory_space<semaphore_mem>>
          %dma_start3A_603 = tpu.memref_squeeze %dma_start3A_602 : memref<1x!tpu.dma_semaphore, #tpu.memory_space<semaphore_mem>> -> memref<!tpu.dma_semaphore, #tpu.memory_space<semaphore_mem>>
          %dma_start3A_604 = arith.constant 0 : i32
          %dma_start3A_605 = arith.constant 0 : i32
          %dma_start3A_606 = tpu.memref_slice %run_scoped3A_8[%rem3A_589, %dma_start3A_604, %dma_start3A_605] : memref<2x1x200xi32, #tpu.memory_space<vmem>> -> memref<1x1x200xi32, #tpu.memory_space<vmem>>
          %dma_start3A_607 = tpu.memref_squeeze %dma_start3A_606 : memref<1x1x200xi32, #tpu.memory_space<vmem>> -> memref<1x200xi32, #tpu.memory_space<vmem>>
          %dma_start3A_608 = arith.constant 0 : i32
          %dma_start3A_609 = tpu.memref_slice %arg3[%mul3A_595, %dma_start3A_608] : memref<4096x200xi32, #tpu.memory_space<hbm>> -> memref<1x200xi32, #tpu.memory_space<hbm>>
          tpu.enqueue_dma source(%dma_start3A_609 : memref<1x200xi32, #tpu.memory_space<hbm>>) target(%dma_start3A_607 : memref<1x200xi32, #tpu.memory_space<vmem>>) target_semaphore(%dma_start3A_603 : memref<!tpu.dma_semaphore, #tpu.memory_space<semaphore_mem>>)
          "tpu.trace_stop"() : () -> ()
        } else {
        }
        %and3A_269 = arith.constant true
        %and3A_270 = arith.andi %and3A_265, %and3A_269 : i1
        %add3A_271 = arith.constant 1 : i32
        %add3A_272 = arith.addi %scan3A_194, %add3A_271 : i32
        %select_n3A_273 = arith.select %and3A_270, %add3A_272, %scan3A_194 : i32
        %mul3A_274 = arith.constant 2 : i32
        %mul3A_275 = arith.muli %mul3A_274, %add3A_205 : i32
        %mul3A_276 = arith.constant 2 : i32
        %mul3A_277 = arith.muli %mul3A_276, %add3A_223 : i32
        %ne3A_278 = arith.cmpi ne, %mul3A_275, %mul3A_277 : i32
        %or3A_279 = arith.constant false
        %or3A_280 = arith.ori %or3A_279, %ne3A_278 : i1
        %or3A_281 = arith.constant false
        %or3A_282 = arith.ori %or3A_280, %or3A_281 : i1
        %or3A_283 = arith.constant false
        %or3A_284 = arith.ori %or3A_282, %or3A_283 : i1
        %ge3A_285 = arith.constant 63 : i32
        %ge3A_286 = arith.cmpi sge, %scan3A_191, %ge3A_285 : i32
        %not3A_287 = arith.constant true
        %not3A_288 = arith.xori %ge3A_286, %not3A_287 : i1
        %and3A_289 = arith.andi %or3A_284, %not3A_288 : i1
        %mul3A_290 = arith.constant 2 : i32
        %mul3A_291 = arith.muli %mul3A_290, %add3A_205 : i32
        %add3A_292 = arith.constant 1 : i32
        %add3A_293 = arith.addi %mul3A_291, %add3A_292 : i32
        %mul3A_294 = arith.constant 2 : i32
        %mul3A_295 = arith.muli %mul3A_294, %add3A_223 : i32
        %add3A_296 = arith.constant 1 : i32
        %add3A_297 = arith.addi %mul3A_295, %add3A_296 : i32
        %ne3A_298 = arith.cmpi ne, %add3A_293, %add3A_297 : i32
        %or3A_299 = arith.constant false
        %or3A_300 = arith.ori %or3A_299, %ne3A_298 : i1
        %or3A_301 = arith.constant false
        %or3A_302 = arith.ori %or3A_300, %or3A_301 : i1
        %or3A_303 = arith.constant false
        %or3A_304 = arith.ori %or3A_302, %or3A_303 : i1
        %ge3A_305 = arith.constant 63 : i32
        %ge3A_306 = arith.cmpi sge, %scan3A_191, %ge3A_305 : i32
        %not3A_307 = arith.constant true
        %not3A_308 = arith.xori %ge3A_306, %not3A_307 : i1
        %and3A_309 = arith.andi %or3A_304, %not3A_308 : i1
        %mul3A_310 = arith.constant 2 : i32
        %mul3A_311 = arith.muli %mul3A_310, %add3A_205 : i32
        %mul3A_312 = arith.constant 2 : i32
        %mul3A_313 = arith.muli %mul3A_312, %add3A_214 : i32
        %ne3A_314 = arith.cmpi ne, %mul3A_311, %mul3A_313 : i32
        %or3A_315 = arith.constant false
        %or3A_316 = arith.ori %or3A_315, %ne3A_314 : i1
        %or3A_317 = arith.constant false
        %or3A_318 = arith.ori %or3A_316, %or3A_317 : i1
        %or3A_319 = arith.ori %or3A_318, %eq3A_202 : i1
        %convert_element_type3A_320 = arith.extui %or3A_319 : i1 to i32
        %cond3A_321 = arith.constant 0 : i32
        %cond3A_322 = arith.cmpi ne, %convert_element_type3A_320, %cond3A_321 : i32
        scf.if %cond3A_322 {
          "tpu.trace_start"() <{level = 10 : i32, message = "ep_wait_in"}> : () -> ()
          %mul3A_588 = arith.constant 2 : i32
          %mul3A_589 = arith.muli %mul3A_588, %add3A_205 : i32
          %mul3A_590 = arith.constant 1 : i32
          %mul3A_591 = arith.muli %mul3A_590, %mul3A_589 : i32
          %rem3A_592 = arith.constant 2 : i32
          %rem3A_593 = arith.remui %scan3A_193, %rem3A_592 : i32
          %dma_wait3A_594 = arith.constant 0 : i32
          %dma_wait3A_595 = arith.constant 0 : i32
          %dma_wait3A_596 = tpu.memref_slice %run_scoped3A[%rem3A_593, %dma_wait3A_594, %dma_wait3A_595] : memref<2x1x200xi32, #tpu.memory_space<vmem>> -> memref<1x1x200xi32, #tpu.memory_space<vmem>>
          %dma_wait3A_597 = tpu.memref_squeeze %dma_wait3A_596 : memref<1x1x200xi32, #tpu.memory_space<vmem>> -> memref<1x200xi32, #tpu.memory_space<vmem>>
          %dma_wait3A_598 = arith.constant 0 : i32
          %dma_wait3A_599 = tpu.memref_slice %arg3[%mul3A_591, %dma_wait3A_598] : memref<4096x200xi32, #tpu.memory_space<hbm>> -> memref<1x200xi32, #tpu.memory_space<hbm>>
          %dma_wait3A_600 = tpu.memref_slice %run_scoped3A_7[%rem3A_593] : memref<2x!tpu.dma_semaphore, #tpu.memory_space<semaphore_mem>> -> memref<1x!tpu.dma_semaphore, #tpu.memory_space<semaphore_mem>>
          %dma_wait3A_601 = tpu.memref_squeeze %dma_wait3A_600 : memref<1x!tpu.dma_semaphore, #tpu.memory_space<semaphore_mem>> -> memref<!tpu.dma_semaphore, #tpu.memory_space<semaphore_mem>>
          %dma_wait3A_602 = arith.constant 0 : i32
          %dma_wait3A_603 = arith.constant 0 : i32
          %dma_wait3A_604 = tpu.memref_slice %run_scoped3A[%rem3A_593, %dma_wait3A_602, %dma_wait3A_603] : memref<2x1x200xi32, #tpu.memory_space<vmem>> -> memref<1x1x200xi32, #tpu.memory_space<vmem>>
          %dma_wait3A_605 = tpu.memref_squeeze %dma_wait3A_604 : memref<1x1x200xi32, #tpu.memory_space<vmem>> -> memref<1x200xi32, #tpu.memory_space<vmem>>
          %dma_wait3A_606 = arith.constant 0 : i32
          %dma_wait3A_607 = tpu.memref_slice %arg3[%mul3A_591, %dma_wait3A_606] : memref<4096x200xi32, #tpu.memory_space<hbm>> -> memref<1x200xi32, #tpu.memory_space<hbm>>
          tpu.wait_dma2 semaphore(%dma_wait3A_601 : memref<!tpu.dma_semaphore, #tpu.memory_space<semaphore_mem>>) src(%dma_wait3A_607 : memref<1x200xi32, #tpu.memory_space<hbm>>) dst(%dma_wait3A_605 : memref<1x200xi32, #tpu.memory_space<vmem>>)
          "tpu.trace_stop"() : () -> ()
        } else {
        }
        %mul3A_323 = arith.constant 2 : i32
        %mul3A_324 = arith.muli %mul3A_323, %add3A_205 : i32
        %add3A_325 = arith.constant 1 : i32
        %add3A_326 = arith.addi %mul3A_324, %add3A_325 : i32
        %mul3A_327 = arith.constant 2 : i32
        %mul3A_328 = arith.muli %mul3A_327, %add3A_214 : i32
        %add3A_329 = arith.constant 1 : i32
        %add3A_330 = arith.addi %mul3A_328, %add3A_329 : i32
        %ne3A_331 = arith.cmpi ne, %add3A_326, %add3A_330 : i32
        %or3A_332 = arith.constant false
        %or3A_333 = arith.ori %or3A_332, %ne3A_331 : i1
        %or3A_334 = arith.constant false
        %or3A_335 = arith.ori %or3A_333, %or3A_334 : i1
        %or3A_336 = arith.ori %or3A_335, %eq3A_202 : i1
        %convert_element_type3A_337 = arith.extui %or3A_336 : i1 to i32
        %cond3A_338 = arith.constant 0 : i32
        %cond3A_339 = arith.cmpi ne, %convert_element_type3A_337, %cond3A_338 : i32
        scf.if %cond3A_339 {
          "tpu.trace_start"() <{level = 10 : i32, message = "ep_wait_in"}> : () -> ()
          %mul3A_588 = arith.constant 2 : i32
          %mul3A_589 = arith.muli %mul3A_588, %add3A_205 : i32
          %add3A_590 = arith.constant 1 : i32
          %add3A_591 = arith.addi %mul3A_589, %add3A_590 : i32
          %mul3A_592 = arith.constant 1 : i32
          %mul3A_593 = arith.muli %mul3A_592, %add3A_591 : i32
          %rem3A_594 = arith.constant 2 : i32
          %rem3A_595 = arith.remui %scan3A_195, %rem3A_594 : i32
          %dma_wait3A_596 = arith.constant 0 : i32
          %dma_wait3A_597 = arith.constant 0 : i32
          %dma_wait3A_598 = tpu.memref_slice %run_scoped3A_8[%rem3A_595, %dma_wait3A_596, %dma_wait3A_597] : memref<2x1x200xi32, #tpu.memory_space<vmem>> -> memref<1x1x200xi32, #tpu.memory_space<vmem>>
          %dma_wait3A_599 = tpu.memref_squeeze %dma_wait3A_598 : memref<1x1x200xi32, #tpu.memory_space<vmem>> -> memref<1x200xi32, #tpu.memory_space<vmem>>
          %dma_wait3A_600 = arith.constant 0 : i32
          %dma_wait3A_601 = tpu.memref_slice %arg3[%mul3A_593, %dma_wait3A_600] : memref<4096x200xi32, #tpu.memory_space<hbm>> -> memref<1x200xi32, #tpu.memory_space<hbm>>
          %dma_wait3A_602 = tpu.memref_slice %run_scoped3A_9[%rem3A_595] : memref<2x!tpu.dma_semaphore, #tpu.memory_space<semaphore_mem>> -> memref<1x!tpu.dma_semaphore, #tpu.memory_space<semaphore_mem>>
          %dma_wait3A_603 = tpu.memref_squeeze %dma_wait3A_602 : memref<1x!tpu.dma_semaphore, #tpu.memory_space<semaphore_mem>> -> memref<!tpu.dma_semaphore, #tpu.memory_space<semaphore_mem>>
          %dma_wait3A_604 = arith.constant 0 : i32
          %dma_wait3A_605 = arith.constant 0 : i32
          %dma_wait3A_606 = tpu.memref_slice %run_scoped3A_8[%rem3A_595, %dma_wait3A_604, %dma_wait3A_605] : memref<2x1x200xi32, #tpu.memory_space<vmem>> -> memref<1x1x200xi32, #tpu.memory_space<vmem>>
          %dma_wait3A_607 = tpu.memref_squeeze %dma_wait3A_606 : memref<1x1x200xi32, #tpu.memory_space<vmem>> -> memref<1x200xi32, #tpu.memory_space<vmem>>
          %dma_wait3A_608 = arith.constant 0 : i32
          %dma_wait3A_609 = tpu.memref_slice %arg3[%mul3A_593, %dma_wait3A_608] : memref<4096x200xi32, #tpu.memory_space<hbm>> -> memref<1x200xi32, #tpu.memory_space<hbm>>
          tpu.wait_dma2 semaphore(%dma_wait3A_603 : memref<!tpu.dma_semaphore, #tpu.memory_space<semaphore_mem>>) src(%dma_wait3A_609 : memref<1x200xi32, #tpu.memory_space<hbm>>) dst(%dma_wait3A_607 : memref<1x200xi32, #tpu.memory_space<vmem>>)
          "tpu.trace_stop"() : () -> ()
        } else {
        }
        %mul3A_340 = arith.constant 2 : i32
        %mul3A_341 = arith.muli %mul3A_340, %add3A_205 : i32
        %mul3A_342 = arith.constant 2 : i32
        %mul3A_343 = arith.muli %mul3A_342, %add3A_214 : i32
        %ne3A_344 = arith.cmpi ne, %mul3A_341, %mul3A_343 : i32
        %or3A_345 = arith.constant false
        %or3A_346 = arith.ori %or3A_345, %ne3A_344 : i1
        %or3A_347 = arith.constant false
        %or3A_348 = arith.ori %or3A_346, %or3A_347 : i1
        %or3A_349 = arith.constant false
        %or3A_350 = arith.ori %or3A_348, %or3A_349 : i1
        %or3A_351 = arith.ori %or3A_350, %eq3A_202 : i1
        %convert_element_type3A_352 = arith.extui %or3A_351 : i1 to i32
        %cond3A_353 = arith.constant 0 : i32
        %cond3A_354 = arith.cmpi ne, %convert_element_type3A_352, %cond3A_353 : i32
        scf.if %cond3A_354 {
        } else {
        }
        %mul3A_355 = arith.constant 2 : i32
        %mul3A_356 = arith.muli %mul3A_355, %add3A_205 : i32
        %add3A_357 = arith.constant 1 : i32
        %add3A_358 = arith.addi %mul3A_356, %add3A_357 : i32
        %mul3A_359 = arith.constant 2 : i32
        %mul3A_360 = arith.muli %mul3A_359, %add3A_214 : i32
        %add3A_361 = arith.constant 1 : i32
        %add3A_362 = arith.addi %mul3A_360, %add3A_361 : i32
        %ne3A_363 = arith.cmpi ne, %add3A_358, %add3A_362 : i32
        %or3A_364 = arith.constant false
        %or3A_365 = arith.ori %or3A_364, %ne3A_363 : i1
        %or3A_366 = arith.constant false
        %or3A_367 = arith.ori %or3A_365, %or3A_366 : i1
        %or3A_368 = arith.constant false
        %or3A_369 = arith.ori %or3A_367, %or3A_368 : i1
        %or3A_370 = arith.ori %or3A_369, %eq3A_202 : i1
        %convert_element_type3A_371 = arith.extui %or3A_370 : i1 to i32
        %cond3A_372 = arith.constant 0 : i32
        %cond3A_373 = arith.cmpi ne, %convert_element_type3A_371, %cond3A_372 : i32
        scf.if %cond3A_373 {
        } else {
        }
        %rem3A_374 = arith.constant 2 : i32
        %rem3A_375 = arith.remui %scan3A_193, %rem3A_374 : i32
        %rem3A_376 = arith.constant 2 : i32
        %rem3A_377 = arith.remui %scan3A_195, %rem3A_376 : i32
        %rem3A_378 = arith.constant 2 : i32
        %rem3A_379 = arith.remui %scan3A_196, %rem3A_378 : i32
        %rem3A_380 = arith.constant 2 : i32
        %rem3A_381 = arith.remui %scan3A_198, %rem3A_380 : i32
        %run_scoped3A_382 = arith.constant 0 : i32
        %run_scoped3A_383 = arith.constant 0 : i32
        "tpu.trace_start"() <{level = 10 : i32, message = "ep_run_kernel"}> : () -> ()
        "tpu.region"() ({
          %run_scoped3A_588 = tpu.sem_alloc : memref<!tpu.dma_semaphore, #tpu.memory_space<semaphore_mem>>
          %dma_start3A_589 = arith.constant 0 : i32
          %dma_start3A_590 = arith.constant 0 : i32
          %dma_start3A_591 = arith.constant 0 : i32
          %dma_start3A_592 = tpu.memref_slice %run_scoped3A_10[%rem3A_379, %dma_start3A_589, %dma_start3A_590, %dma_start3A_591] : memref<2x1x200x128xf32, #tpu.memory_space<vmem>> -> memref<1x1x200x128xf32, #tpu.memory_space<vmem>>
          %dma_start3A_593 = tpu.memref_squeeze %dma_start3A_592 : memref<1x1x200x128xf32, #tpu.memory_space<vmem>> -> memref<1x200x128xf32, #tpu.memory_space<vmem>>
          %dma_start3A_594 = arith.constant 0 : i32
          %dma_start3A_595 = arith.constant 0 : i32
          %dma_start3A_596 = tpu.memref_slice %dma_start3A_593[%run_scoped3A_383, %dma_start3A_594, %dma_start3A_595] : memref<1x200x128xf32, #tpu.memory_space<vmem>> -> memref<1x200x128xf32, #tpu.memory_space<vmem>>
          %dma_start3A_597 = tpu.memref_squeeze %dma_start3A_596 : memref<1x200x128xf32, #tpu.memory_space<vmem>> -> memref<200x128xf32, #tpu.memory_space<vmem>>
          %dma_start3A_598 = arith.constant 0 : i32
          %dma_start3A_599 = arith.constant 0 : i32
          %dma_start3A_600 = tpu.memref_slice %run_scoped3A[%rem3A_375, %dma_start3A_598, %dma_start3A_599] : memref<2x1x200xi32, #tpu.memory_space<vmem>> -> memref<1x1x200xi32, #tpu.memory_space<vmem>>
          %dma_start3A_601 = tpu.memref_squeeze %dma_start3A_600 : memref<1x1x200xi32, #tpu.memory_space<vmem>> -> memref<1x200xi32, #tpu.memory_space<vmem>>
          %dma_start3A_602 = arith.constant 0 : i32
          %dma_start3A_603 = tpu.memref_slice %dma_start3A_601[%run_scoped3A_382, %dma_start3A_602] : memref<1x200xi32, #tpu.memory_space<vmem>> -> memref<1x200xi32, #tpu.memory_space<vmem>>
          %dma_start3A_604 = tpu.memref_squeeze %dma_start3A_603 : memref<1x200xi32, #tpu.memory_space<vmem>> -> memref<200xi32, #tpu.memory_space<vmem>>
          %dma_start3A_605 = arith.constant 0 : i32
          %dma_start3A_606 = arith.constant 0 : i32
          %dma_start3A_607 = tpu.memref_slice %arg2[%dma_start3A_605, %dma_start3A_606] : memref<1000000x128xf32, #tpu.memory_space<hbm>> -> memref<1000000x128xf32, #tpu.memory_space<hbm>>
          tpu.enqueue_indirect_dma source(%dma_start3A_607 : memref<1000000x128xf32, #tpu.memory_space<hbm>>) target(%dma_start3A_597 : memref<200x128xf32, #tpu.memory_space<vmem>>) offsets(%dma_start3A_604 : memref<200xi32, #tpu.memory_space<vmem>>) semaphore(%run_scoped3A_588 : memref<!tpu.dma_semaphore, #tpu.memory_space<semaphore_mem>>)
          %dma_wait3A_608 = arith.constant 0 : i32
          %dma_wait3A_609 = arith.constant 0 : i32
          %dma_wait3A_610 = arith.constant 0 : i32
          %dma_wait3A_611 = tpu.memref_slice %run_scoped3A_10[%rem3A_379, %dma_wait3A_608, %dma_wait3A_609, %dma_wait3A_610] : memref<2x1x200x128xf32, #tpu.memory_space<vmem>> -> memref<1x1x200x128xf32, #tpu.memory_space<vmem>>
          %dma_wait3A_612 = tpu.memref_squeeze %dma_wait3A_611 : memref<1x1x200x128xf32, #tpu.memory_space<vmem>> -> memref<1x200x128xf32, #tpu.memory_space<vmem>>
          %dma_wait3A_613 = arith.constant 0 : i32
          %dma_wait3A_614 = arith.constant 0 : i32
          %dma_wait3A_615 = tpu.memref_slice %dma_wait3A_612[%run_scoped3A_383, %dma_wait3A_613, %dma_wait3A_614] : memref<1x200x128xf32, #tpu.memory_space<vmem>> -> memref<1x200x128xf32, #tpu.memory_space<vmem>>
          %dma_wait3A_616 = tpu.memref_squeeze %dma_wait3A_615 : memref<1x200x128xf32, #tpu.memory_space<vmem>> -> memref<200x128xf32, #tpu.memory_space<vmem>>
          %dma_wait3A_617 = arith.constant 0 : i32
          %dma_wait3A_618 = arith.constant 0 : i32
          %dma_wait3A_619 = tpu.memref_slice %run_scoped3A[%rem3A_375, %dma_wait3A_617, %dma_wait3A_618] : memref<2x1x200xi32, #tpu.memory_space<vmem>> -> memref<1x1x200xi32, #tpu.memory_space<vmem>>
          %dma_wait3A_620 = tpu.memref_squeeze %dma_wait3A_619 : memref<1x1x200xi32, #tpu.memory_space<vmem>> -> memref<1x200xi32, #tpu.memory_space<vmem>>
          %dma_wait3A_621 = arith.constant 0 : i32
          %dma_wait3A_622 = tpu.memref_slice %dma_wait3A_620[%run_scoped3A_382, %dma_wait3A_621] : memref<1x200xi32, #tpu.memory_space<vmem>> -> memref<1x200xi32, #tpu.memory_space<vmem>>
          %dma_wait3A_623 = tpu.memref_squeeze %dma_wait3A_622 : memref<1x200xi32, #tpu.memory_space<vmem>> -> memref<200xi32, #tpu.memory_space<vmem>>
          %dma_wait3A_624 = arith.constant 0 : i32
          %dma_wait3A_625 = arith.constant 0 : i32
          %dma_wait3A_626 = tpu.memref_slice %arg2[%dma_wait3A_624, %dma_wait3A_625] : memref<1000000x128xf32, #tpu.memory_space<hbm>> -> memref<1000000x128xf32, #tpu.memory_space<hbm>>
          tpu.wait_indirect_dma semaphore(%run_scoped3A_588 : memref<!tpu.dma_semaphore, #tpu.memory_space<semaphore_mem>>) src(%dma_wait3A_626 : memref<1000000x128xf32, #tpu.memory_space<hbm>>) dst(%dma_wait3A_616 : memref<200x128xf32, #tpu.memory_space<vmem>>)
          tpu.yield
        }) : () -> ()
        %run_scoped3A_384 = arith.constant 0 : i32
        %run_scoped3A_385 = arith.constant 0 : i32
        "tpu.region"() ({
          %run_scoped3A_588 = tpu.sem_alloc : memref<!tpu.dma_semaphore, #tpu.memory_space<semaphore_mem>>
          %dma_start3A_589 = arith.constant 0 : i32
          %dma_start3A_590 = arith.constant 0 : i32
          %dma_start3A_591 = arith.constant 0 : i32
          %dma_start3A_592 = tpu.memref_slice %run_scoped3A_12[%rem3A_381, %dma_start3A_589, %dma_start3A_590, %dma_start3A_591] : memref<2x1x200x128xf32, #tpu.memory_space<vmem>> -> memref<1x1x200x128xf32, #tpu.memory_space<vmem>>
          %dma_start3A_593 = tpu.memref_squeeze %dma_start3A_592 : memref<1x1x200x128xf32, #tpu.memory_space<vmem>> -> memref<1x200x128xf32, #tpu.memory_space<vmem>>
          %dma_start3A_594 = arith.constant 0 : i32
          %dma_start3A_595 = arith.constant 0 : i32
          %dma_start3A_596 = tpu.memref_slice %dma_start3A_593[%run_scoped3A_385, %dma_start3A_594, %dma_start3A_595] : memref<1x200x128xf32, #tpu.memory_space<vmem>> -> memref<1x200x128xf32, #tpu.memory_space<vmem>>
          %dma_start3A_597 = tpu.memref_squeeze %dma_start3A_596 : memref<1x200x128xf32, #tpu.memory_space<vmem>> -> memref<200x128xf32, #tpu.memory_space<vmem>>
          %dma_start3A_598 = arith.constant 0 : i32
          %dma_start3A_599 = arith.constant 0 : i32
          %dma_start3A_600 = tpu.memref_slice %run_scoped3A_8[%rem3A_377, %dma_start3A_598, %dma_start3A_599] : memref<2x1x200xi32, #tpu.memory_space<vmem>> -> memref<1x1x200xi32, #tpu.memory_space<vmem>>
          %dma_start3A_601 = tpu.memref_squeeze %dma_start3A_600 : memref<1x1x200xi32, #tpu.memory_space<vmem>> -> memref<1x200xi32, #tpu.memory_space<vmem>>
          %dma_start3A_602 = arith.constant 0 : i32
          %dma_start3A_603 = tpu.memref_slice %dma_start3A_601[%run_scoped3A_384, %dma_start3A_602] : memref<1x200xi32, #tpu.memory_space<vmem>> -> memref<1x200xi32, #tpu.memory_space<vmem>>
          %dma_start3A_604 = tpu.memref_squeeze %dma_start3A_603 : memref<1x200xi32, #tpu.memory_space<vmem>> -> memref<200xi32, #tpu.memory_space<vmem>>
          %dma_start3A_605 = arith.constant 0 : i32
          %dma_start3A_606 = arith.constant 0 : i32
          %dma_start3A_607 = tpu.memref_slice %arg2[%dma_start3A_605, %dma_start3A_606] : memref<1000000x128xf32, #tpu.memory_space<hbm>> -> memref<1000000x128xf32, #tpu.memory_space<hbm>>
          tpu.enqueue_indirect_dma source(%dma_start3A_607 : memref<1000000x128xf32, #tpu.memory_space<hbm>>) target(%dma_start3A_597 : memref<200x128xf32, #tpu.memory_space<vmem>>) offsets(%dma_start3A_604 : memref<200xi32, #tpu.memory_space<vmem>>) semaphore(%run_scoped3A_588 : memref<!tpu.dma_semaphore, #tpu.memory_space<semaphore_mem>>)
          %dma_wait3A_608 = arith.constant 0 : i32
          %dma_wait3A_609 = arith.constant 0 : i32
          %dma_wait3A_610 = arith.constant 0 : i32
          %dma_wait3A_611 = tpu.memref_slice %run_scoped3A_12[%rem3A_381, %dma_wait3A_608, %dma_wait3A_609, %dma_wait3A_610] : memref<2x1x200x128xf32, #tpu.memory_space<vmem>> -> memref<1x1x200x128xf32, #tpu.memory_space<vmem>>
          %dma_wait3A_612 = tpu.memref_squeeze %dma_wait3A_611 : memref<1x1x200x128xf32, #tpu.memory_space<vmem>> -> memref<1x200x128xf32, #tpu.memory_space<vmem>>
          %dma_wait3A_613 = arith.constant 0 : i32
          %dma_wait3A_614 = arith.constant 0 : i32
          %dma_wait3A_615 = tpu.memref_slice %dma_wait3A_612[%run_scoped3A_385, %dma_wait3A_613, %dma_wait3A_614] : memref<1x200x128xf32, #tpu.memory_space<vmem>> -> memref<1x200x128xf32, #tpu.memory_space<vmem>>
          %dma_wait3A_616 = tpu.memref_squeeze %dma_wait3A_615 : memref<1x200x128xf32, #tpu.memory_space<vmem>> -> memref<200x128xf32, #tpu.memory_space<vmem>>
          %dma_wait3A_617 = arith.constant 0 : i32
          %dma_wait3A_618 = arith.constant 0 : i32
          %dma_wait3A_619 = tpu.memref_slice %run_scoped3A_8[%rem3A_377, %dma_wait3A_617, %dma_wait3A_618] : memref<2x1x200xi32, #tpu.memory_space<vmem>> -> memref<1x1x200xi32, #tpu.memory_space<vmem>>
          %dma_wait3A_620 = tpu.memref_squeeze %dma_wait3A_619 : memref<1x1x200xi32, #tpu.memory_space<vmem>> -> memref<1x200xi32, #tpu.memory_space<vmem>>
          %dma_wait3A_621 = arith.constant 0 : i32
          %dma_wait3A_622 = tpu.memref_slice %dma_wait3A_620[%run_scoped3A_384, %dma_wait3A_621] : memref<1x200xi32, #tpu.memory_space<vmem>> -> memref<1x200xi32, #tpu.memory_space<vmem>>
          %dma_wait3A_623 = tpu.memref_squeeze %dma_wait3A_622 : memref<1x200xi32, #tpu.memory_space<vmem>> -> memref<200xi32, #tpu.memory_space<vmem>>
          %dma_wait3A_624 = arith.constant 0 : i32
          %dma_wait3A_625 = arith.constant 0 : i32
          %dma_wait3A_626 = tpu.memref_slice %arg2[%dma_wait3A_624, %dma_wait3A_625] : memref<1000000x128xf32, #tpu.memory_space<hbm>> -> memref<1000000x128xf32, #tpu.memory_space<hbm>>
          tpu.wait_indirect_dma semaphore(%run_scoped3A_588 : memref<!tpu.dma_semaphore, #tpu.memory_space<semaphore_mem>>) src(%dma_wait3A_626 : memref<1000000x128xf32, #tpu.memory_space<hbm>>) dst(%dma_wait3A_616 : memref<200x128xf32, #tpu.memory_space<vmem>>)
          tpu.yield
        }) : () -> ()
        "tpu.trace_stop"() : () -> ()
        %mul3A_386 = arith.constant 2 : i32
        %mul3A_387 = arith.muli %mul3A_386, %add3A_205 : i32
        %mul3A_388 = arith.constant 2 : i32
        %mul3A_389 = arith.muli %mul3A_388, %add3A_223 : i32
        %ne3A_390 = arith.cmpi ne, %mul3A_387, %mul3A_389 : i32
        %or3A_391 = arith.constant false
        %or3A_392 = arith.ori %or3A_391, %ne3A_390 : i1
        %or3A_393 = arith.constant false
        %or3A_394 = arith.ori %or3A_392, %or3A_393 : i1
        %or3A_395 = arith.ori %or3A_394, %eq3A_204 : i1
        %convert_element_type3A_396 = arith.extui %or3A_395 : i1 to i32
        %cond3A_397 = arith.constant 0 : i32
        %cond3A_398 = arith.cmpi ne, %convert_element_type3A_396, %cond3A_397 : i32
        scf.if %cond3A_398 {
        } else {
        }
        %and3A_399 = arith.constant false
        %and3A_400 = arith.andi %or3A_395, %and3A_399 : i1
        %mul3A_401 = arith.constant 2 : i32
        %mul3A_402 = arith.muli %mul3A_401, %add3A_205 : i32
        %add3A_403 = arith.constant 1 : i32
        %add3A_404 = arith.addi %mul3A_402, %add3A_403 : i32
        %mul3A_405 = arith.constant 2 : i32
        %mul3A_406 = arith.muli %mul3A_405, %add3A_223 : i32
        %add3A_407 = arith.constant 1 : i32
        %add3A_408 = arith.addi %mul3A_406, %add3A_407 : i32
        %ne3A_409 = arith.cmpi ne, %add3A_404, %add3A_408 : i32
        %or3A_410 = arith.constant false
        %or3A_411 = arith.ori %or3A_410, %ne3A_409 : i1
        %or3A_412 = arith.constant false
        %or3A_413 = arith.ori %or3A_411, %or3A_412 : i1
        %or3A_414 = arith.ori %or3A_413, %eq3A_204 : i1
        %convert_element_type3A_415 = arith.extui %or3A_414 : i1 to i32
        %cond3A_416 = arith.constant 0 : i32
        %cond3A_417 = arith.cmpi ne, %convert_element_type3A_415, %cond3A_416 : i32
        scf.if %cond3A_417 {
        } else {
        }
        %and3A_418 = arith.constant false
        %and3A_419 = arith.andi %or3A_414, %and3A_418 : i1
        %mul3A_420 = arith.constant 2 : i32
        %mul3A_421 = arith.muli %mul3A_420, %add3A_205 : i32
        %mul3A_422 = arith.constant 2 : i32
        %mul3A_423 = arith.muli %mul3A_422, %add3A_223 : i32
        %ne3A_424 = arith.cmpi ne, %mul3A_421, %mul3A_423 : i32
        %or3A_425 = arith.constant false
        %or3A_426 = arith.ori %or3A_425, %ne3A_424 : i1
        %or3A_427 = arith.constant false
        %or3A_428 = arith.ori %or3A_426, %or3A_427 : i1
        %or3A_429 = arith.constant false
        %or3A_430 = arith.ori %or3A_428, %or3A_429 : i1
        %or3A_431 = arith.ori %or3A_430, %eq3A_204 : i1
        %convert_element_type3A_432 = arith.extui %or3A_431 : i1 to i32
        %cond3A_433 = arith.constant 0 : i32
        %cond3A_434 = arith.cmpi ne, %convert_element_type3A_432, %cond3A_433 : i32
        scf.if %cond3A_434 {
          "tpu.trace_start"() <{level = 10 : i32, message = "ep_copy_out"}> : () -> ()
          %rem3A_588 = arith.constant 2 : i32
          %rem3A_589 = arith.remui %scan3A_196, %rem3A_588 : i32
          %mul3A_590 = arith.constant 2 : i32
          %mul3A_591 = arith.muli %mul3A_590, %add3A_205 : i32
          %mul3A_592 = arith.constant 1 : i32
          %mul3A_593 = arith.muli %mul3A_592, %mul3A_591 : i32
          %dma_start3A_594 = arith.constant 0 : i32
          %dma_start3A_595 = arith.constant 0 : i32
          %dma_start3A_596 = arith.constant 0 : i32
          %dma_start3A_597 = tpu.memref_slice %run_scoped3A_10[%rem3A_589, %dma_start3A_594, %dma_start3A_595, %dma_start3A_596] : memref<2x1x200x128xf32, #tpu.memory_space<vmem>> -> memref<1x1x200x128xf32, #tpu.memory_space<vmem>>
          %dma_start3A_598 = tpu.memref_squeeze %dma_start3A_597 : memref<1x1x200x128xf32, #tpu.memory_space<vmem>> -> memref<1x200x128xf32, #tpu.memory_space<vmem>>
          %dma_start3A_599 = arith.constant 0 : i32
          %dma_start3A_600 = arith.constant 0 : i32
          %dma_start3A_601 = tpu.memref_slice %arg4[%mul3A_593, %dma_start3A_599, %dma_start3A_600] : memref<4096x200x128xf32, #tpu.memory_space<hbm>> -> memref<1x200x128xf32, #tpu.memory_space<hbm>>
          %dma_start3A_602 = tpu.memref_slice %run_scoped3A_11[%rem3A_589] : memref<2x!tpu.dma_semaphore, #tpu.memory_space<semaphore_mem>> -> memref<1x!tpu.dma_semaphore, #tpu.memory_space<semaphore_mem>>
          %dma_start3A_603 = tpu.memref_squeeze %dma_start3A_602 : memref<1x!tpu.dma_semaphore, #tpu.memory_space<semaphore_mem>> -> memref<!tpu.dma_semaphore, #tpu.memory_space<semaphore_mem>>
          %dma_start3A_604 = arith.constant 0 : i32
          %dma_start3A_605 = arith.constant 0 : i32
          %dma_start3A_606 = tpu.memref_slice %arg4[%mul3A_593, %dma_start3A_604, %dma_start3A_605] : memref<4096x200x128xf32, #tpu.memory_space<hbm>> -> memref<1x200x128xf32, #tpu.memory_space<hbm>>
          %dma_start3A_607 = arith.constant 0 : i32
          %dma_start3A_608 = arith.constant 0 : i32
          %dma_start3A_609 = arith.constant 0 : i32
          %dma_start3A_610 = tpu.memref_slice %run_scoped3A_10[%rem3A_589, %dma_start3A_607, %dma_start3A_608, %dma_start3A_609] : memref<2x1x200x128xf32, #tpu.memory_space<vmem>> -> memref<1x1x200x128xf32, #tpu.memory_space<vmem>>
          %dma_start3A_611 = tpu.memref_squeeze %dma_start3A_610 : memref<1x1x200x128xf32, #tpu.memory_space<vmem>> -> memref<1x200x128xf32, #tpu.memory_space<vmem>>
          tpu.enqueue_dma source(%dma_start3A_611 : memref<1x200x128xf32, #tpu.memory_space<vmem>>) target(%dma_start3A_606 : memref<1x200x128xf32, #tpu.memory_space<hbm>>) target_semaphore(%dma_start3A_603 : memref<!tpu.dma_semaphore, #tpu.memory_space<semaphore_mem>>)
          "tpu.trace_stop"() : () -> ()
        } else {
        }
        %and3A_435 = arith.constant true
        %and3A_436 = arith.andi %or3A_431, %and3A_435 : i1
        %add3A_437 = arith.constant 1 : i32
        %add3A_438 = arith.addi %scan3A_196, %add3A_437 : i32
        %select_n3A_439 = arith.select %and3A_436, %add3A_438, %scan3A_196 : i32
        %mul3A_440 = arith.constant 2 : i32
        %mul3A_441 = arith.muli %mul3A_440, %add3A_205 : i32
        %add3A_442 = arith.constant 1 : i32
        %add3A_443 = arith.addi %mul3A_441, %add3A_442 : i32
        %mul3A_444 = arith.constant 2 : i32
        %mul3A_445 = arith.muli %mul3A_444, %add3A_223 : i32
        %add3A_446 = arith.constant 1 : i32
        %add3A_447 = arith.addi %mul3A_445, %add3A_446 : i32
        %ne3A_448 = arith.cmpi ne, %add3A_443, %add3A_447 : i32
        %or3A_449 = arith.constant false
        %or3A_450 = arith.ori %or3A_449, %ne3A_448 : i1
        %or3A_451 = arith.constant false
        %or3A_452 = arith.ori %or3A_450, %or3A_451 : i1
        %or3A_453 = arith.constant false
        %or3A_454 = arith.ori %or3A_452, %or3A_453 : i1
        %or3A_455 = arith.ori %or3A_454, %eq3A_204 : i1
        %convert_element_type3A_456 = arith.extui %or3A_455 : i1 to i32
        %cond3A_457 = arith.constant 0 : i32
        %cond3A_458 = arith.cmpi ne, %convert_element_type3A_456, %cond3A_457 : i32
        scf.if %cond3A_458 {
          "tpu.trace_start"() <{level = 10 : i32, message = "ep_copy_out"}> : () -> ()
          %rem3A_588 = arith.constant 2 : i32
          %rem3A_589 = arith.remui %scan3A_198, %rem3A_588 : i32
          %mul3A_590 = arith.constant 2 : i32
          %mul3A_591 = arith.muli %mul3A_590, %add3A_205 : i32
          %add3A_592 = arith.constant 1 : i32
          %add3A_593 = arith.addi %mul3A_591, %add3A_592 : i32
          %mul3A_594 = arith.constant 1 : i32
          %mul3A_595 = arith.muli %mul3A_594, %add3A_593 : i32
          %dma_start3A_596 = arith.constant 0 : i32
          %dma_start3A_597 = arith.constant 0 : i32
          %dma_start3A_598 = arith.constant 0 : i32
          %dma_start3A_599 = tpu.memref_slice %run_scoped3A_12[%rem3A_589, %dma_start3A_596, %dma_start3A_597, %dma_start3A_598] : memref<2x1x200x128xf32, #tpu.memory_space<vmem>> -> memref<1x1x200x128xf32, #tpu.memory_space<vmem>>
          %dma_start3A_600 = tpu.memref_squeeze %dma_start3A_599 : memref<1x1x200x128xf32, #tpu.memory_space<vmem>> -> memref<1x200x128xf32, #tpu.memory_space<vmem>>
          %dma_start3A_601 = arith.constant 0 : i32
          %dma_start3A_602 = arith.constant 0 : i32
          %dma_start3A_603 = tpu.memref_slice %arg4[%mul3A_595, %dma_start3A_601, %dma_start3A_602] : memref<4096x200x128xf32, #tpu.memory_space<hbm>> -> memref<1x200x128xf32, #tpu.memory_space<hbm>>
          %dma_start3A_604 = tpu.memref_slice %run_scoped3A_13[%rem3A_589] : memref<2x!tpu.dma_semaphore, #tpu.memory_space<semaphore_mem>> -> memref<1x!tpu.dma_semaphore, #tpu.memory_space<semaphore_mem>>
          %dma_start3A_605 = tpu.memref_squeeze %dma_start3A_604 : memref<1x!tpu.dma_semaphore, #tpu.memory_space<semaphore_mem>> -> memref<!tpu.dma_semaphore, #tpu.memory_space<semaphore_mem>>
          %dma_start3A_606 = arith.constant 0 : i32
          %dma_start3A_607 = arith.constant 0 : i32
          %dma_start3A_608 = tpu.memref_slice %arg4[%mul3A_595, %dma_start3A_606, %dma_start3A_607] : memref<4096x200x128xf32, #tpu.memory_space<hbm>> -> memref<1x200x128xf32, #tpu.memory_space<hbm>>
          %dma_start3A_609 = arith.constant 0 : i32
          %dma_start3A_610 = arith.constant 0 : i32
          %dma_start3A_611 = arith.constant 0 : i32
          %dma_start3A_612 = tpu.memref_slice %run_scoped3A_12[%rem3A_589, %dma_start3A_609, %dma_start3A_610, %dma_start3A_611] : memref<2x1x200x128xf32, #tpu.memory_space<vmem>> -> memref<1x1x200x128xf32, #tpu.memory_space<vmem>>
          %dma_start3A_613 = tpu.memref_squeeze %dma_start3A_612 : memref<1x1x200x128xf32, #tpu.memory_space<vmem>> -> memref<1x200x128xf32, #tpu.memory_space<vmem>>
          tpu.enqueue_dma source(%dma_start3A_613 : memref<1x200x128xf32, #tpu.memory_space<vmem>>) target(%dma_start3A_608 : memref<1x200x128xf32, #tpu.memory_space<hbm>>) target_semaphore(%dma_start3A_605 : memref<!tpu.dma_semaphore, #tpu.memory_space<semaphore_mem>>)
          "tpu.trace_stop"() : () -> ()
        } else {
        }
        %and3A_459 = arith.constant true
        %and3A_460 = arith.andi %or3A_455, %and3A_459 : i1
        %add3A_461 = arith.constant 1 : i32
        %add3A_462 = arith.addi %scan3A_198, %add3A_461 : i32
        %select_n3A_463 = arith.select %and3A_460, %add3A_462, %scan3A_198 : i32
        %mul3A_464 = arith.constant 2 : i32
        %mul3A_465 = arith.muli %mul3A_464, %add3A_205 : i32
        %mul3A_466 = arith.constant 2 : i32
        %mul3A_467 = arith.muli %mul3A_466, %add3A_214 : i32
        %ne3A_468 = arith.cmpi ne, %mul3A_465, %mul3A_467 : i32
        %or3A_469 = arith.constant false
        %or3A_470 = arith.ori %or3A_469, %ne3A_468 : i1
        %or3A_471 = arith.constant false
        %or3A_472 = arith.ori %or3A_470, %or3A_471 : i1
        %not3A_473 = arith.constant true
        %not3A_474 = arith.xori %eq3A_202, %not3A_473 : i1
        %and3A_475 = arith.andi %or3A_472, %not3A_474 : i1
        %convert_element_type3A_476 = arith.extui %and3A_475 : i1 to i32
        %cond3A_477 = arith.constant 0 : i32
        %cond3A_478 = arith.cmpi ne, %convert_element_type3A_476, %cond3A_477 : i32
        scf.if %cond3A_478 {
        } else {
        }
        %and3A_479 = arith.constant false
        %and3A_480 = arith.andi %and3A_475, %and3A_479 : i1
        %mul3A_481 = arith.constant 2 : i32
        %mul3A_482 = arith.muli %mul3A_481, %add3A_205 : i32
        %add3A_483 = arith.constant 1 : i32
        %add3A_484 = arith.addi %mul3A_482, %add3A_483 : i32
        %mul3A_485 = arith.constant 2 : i32
        %mul3A_486 = arith.muli %mul3A_485, %add3A_214 : i32
        %add3A_487 = arith.constant 1 : i32
        %add3A_488 = arith.addi %mul3A_486, %add3A_487 : i32
        %ne3A_489 = arith.cmpi ne, %add3A_484, %add3A_488 : i32
        %or3A_490 = arith.constant false
        %or3A_491 = arith.ori %or3A_490, %ne3A_489 : i1
        %or3A_492 = arith.constant false
        %or3A_493 = arith.ori %or3A_491, %or3A_492 : i1
        %not3A_494 = arith.constant true
        %not3A_495 = arith.xori %eq3A_202, %not3A_494 : i1
        %and3A_496 = arith.andi %or3A_493, %not3A_495 : i1
        %convert_element_type3A_497 = arith.extui %and3A_496 : i1 to i32
        %cond3A_498 = arith.constant 0 : i32
        %cond3A_499 = arith.cmpi ne, %convert_element_type3A_497, %cond3A_498 : i32
        scf.if %cond3A_499 {
        } else {
        }
        %and3A_500 = arith.constant false
        %and3A_501 = arith.andi %and3A_496, %and3A_500 : i1
        %mul3A_502 = arith.constant 2 : i32
        %mul3A_503 = arith.muli %mul3A_502, %add3A_205 : i32
        %mul3A_504 = arith.constant 2 : i32
        %mul3A_505 = arith.muli %mul3A_504, %add3A_214 : i32
        %ne3A_506 = arith.cmpi ne, %mul3A_503, %mul3A_505 : i32
        %or3A_507 = arith.constant false
        %or3A_508 = arith.ori %or3A_507, %ne3A_506 : i1
        %or3A_509 = arith.constant false
        %or3A_510 = arith.ori %or3A_508, %or3A_509 : i1
        %or3A_511 = arith.constant false
        %or3A_512 = arith.ori %or3A_510, %or3A_511 : i1
        %not3A_513 = arith.constant true
        %not3A_514 = arith.xori %eq3A_202, %not3A_513 : i1
        %and3A_515 = arith.andi %or3A_512, %not3A_514 : i1
        %convert_element_type3A_516 = arith.extui %and3A_515 : i1 to i32
        %cond3A_517 = arith.constant 0 : i32
        %cond3A_518 = arith.cmpi ne, %convert_element_type3A_516, %cond3A_517 : i32
        scf.if %cond3A_518 {
          "tpu.trace_start"() <{level = 10 : i32, message = "ep_wait_out"}> : () -> ()
          %rem3A_588 = arith.constant 2 : i32
          %rem3A_589 = arith.remui %scan3A_197, %rem3A_588 : i32
          %mul3A_590 = arith.constant 2 : i32
          %mul3A_591 = arith.muli %mul3A_590, %add3A_214 : i32
          %mul3A_592 = arith.constant 1 : i32
          %mul3A_593 = arith.muli %mul3A_592, %mul3A_591 : i32
          %dma_wait3A_594 = arith.constant 0 : i32
          %dma_wait3A_595 = arith.constant 0 : i32
          %dma_wait3A_596 = arith.constant 0 : i32
          %dma_wait3A_597 = tpu.memref_slice %run_scoped3A_10[%rem3A_589, %dma_wait3A_594, %dma_wait3A_595, %dma_wait3A_596] : memref<2x1x200x128xf32, #tpu.memory_space<vmem>> -> memref<1x1x200x128xf32, #tpu.memory_space<vmem>>
          %dma_wait3A_598 = tpu.memref_squeeze %dma_wait3A_597 : memref<1x1x200x128xf32, #tpu.memory_space<vmem>> -> memref<1x200x128xf32, #tpu.memory_space<vmem>>
          %dma_wait3A_599 = arith.constant 0 : i32
          %dma_wait3A_600 = arith.constant 0 : i32
          %dma_wait3A_601 = tpu.memref_slice %arg4[%mul3A_593, %dma_wait3A_599, %dma_wait3A_600] : memref<4096x200x128xf32, #tpu.memory_space<hbm>> -> memref<1x200x128xf32, #tpu.memory_space<hbm>>
          %dma_wait3A_602 = tpu.memref_slice %run_scoped3A_11[%rem3A_589] : memref<2x!tpu.dma_semaphore, #tpu.memory_space<semaphore_mem>> -> memref<1x!tpu.dma_semaphore, #tpu.memory_space<semaphore_mem>>
          %dma_wait3A_603 = tpu.memref_squeeze %dma_wait3A_602 : memref<1x!tpu.dma_semaphore, #tpu.memory_space<semaphore_mem>> -> memref<!tpu.dma_semaphore, #tpu.memory_space<semaphore_mem>>
          %dma_wait3A_604 = arith.constant 0 : i32
          %dma_wait3A_605 = arith.constant 0 : i32
          %dma_wait3A_606 = tpu.memref_slice %arg4[%mul3A_593, %dma_wait3A_604, %dma_wait3A_605] : memref<4096x200x128xf32, #tpu.memory_space<hbm>> -> memref<1x200x128xf32, #tpu.memory_space<hbm>>
          %dma_wait3A_607 = arith.constant 0 : i32
          %dma_wait3A_608 = arith.constant 0 : i32
          %dma_wait3A_609 = arith.constant 0 : i32
          %dma_wait3A_610 = tpu.memref_slice %run_scoped3A_10[%rem3A_589, %dma_wait3A_607, %dma_wait3A_608, %dma_wait3A_609] : memref<2x1x200x128xf32, #tpu.memory_space<vmem>> -> memref<1x1x200x128xf32, #tpu.memory_space<vmem>>
          %dma_wait3A_611 = tpu.memref_squeeze %dma_wait3A_610 : memref<1x1x200x128xf32, #tpu.memory_space<vmem>> -> memref<1x200x128xf32, #tpu.memory_space<vmem>>
          tpu.wait_dma2 semaphore(%dma_wait3A_603 : memref<!tpu.dma_semaphore, #tpu.memory_space<semaphore_mem>>) src(%dma_wait3A_611 : memref<1x200x128xf32, #tpu.memory_space<vmem>>) dst(%dma_wait3A_606 : memref<1x200x128xf32, #tpu.memory_space<hbm>>)
          "tpu.trace_stop"() : () -> ()
        } else {
        }
        %and3A_519 = arith.constant true
        %and3A_520 = arith.andi %and3A_515, %and3A_519 : i1
        %add3A_521 = arith.constant 1 : i32
        %add3A_522 = arith.addi %scan3A_197, %add3A_521 : i32
        %select_n3A_523 = arith.select %and3A_520, %add3A_522, %scan3A_197 : i32
        %mul3A_524 = arith.constant 2 : i32
        %mul3A_525 = arith.muli %mul3A_524, %add3A_205 : i32
        %add3A_526 = arith.constant 1 : i32
        %add3A_527 = arith.addi %mul3A_525, %add3A_526 : i32
        %mul3A_528 = arith.constant 2 : i32
        %mul3A_529 = arith.muli %mul3A_528, %add3A_214 : i32
        %add3A_530 = arith.constant 1 : i32
        %add3A_531 = arith.addi %mul3A_529, %add3A_530 : i32
        %ne3A_532 = arith.cmpi ne, %add3A_527, %add3A_531 : i32
        %or3A_533 = arith.constant false
        %or3A_534 = arith.ori %or3A_533, %ne3A_532 : i1
        %or3A_535 = arith.constant false
        %or3A_536 = arith.ori %or3A_534, %or3A_535 : i1
        %or3A_537 = arith.constant false
        %or3A_538 = arith.ori %or3A_536, %or3A_537 : i1
        %not3A_539 = arith.constant true
        %not3A_540 = arith.xori %eq3A_202, %not3A_539 : i1
        %and3A_541 = arith.andi %or3A_538, %not3A_540 : i1
        %convert_element_type3A_542 = arith.extui %and3A_541 : i1 to i32
        %cond3A_543 = arith.constant 0 : i32
        %cond3A_544 = arith.cmpi ne, %convert_element_type3A_542, %cond3A_543 : i32
        scf.if %cond3A_544 {
          "tpu.trace_start"() <{level = 10 : i32, message = "ep_wait_out"}> : () -> ()
          %rem3A_588 = arith.constant 2 : i32
          %rem3A_589 = arith.remui %scan3A_199, %rem3A_588 : i32
          %mul3A_590 = arith.constant 2 : i32
          %mul3A_591 = arith.muli %mul3A_590, %add3A_214 : i32
          %add3A_592 = arith.constant 1 : i32
          %add3A_593 = arith.addi %mul3A_591, %add3A_592 : i32
          %mul3A_594 = arith.constant 1 : i32
          %mul3A_595 = arith.muli %mul3A_594, %add3A_593 : i32
          %dma_wait3A_596 = arith.constant 0 : i32
          %dma_wait3A_597 = arith.constant 0 : i32
          %dma_wait3A_598 = arith.constant 0 : i32
          %dma_wait3A_599 = tpu.memref_slice %run_scoped3A_12[%rem3A_589, %dma_wait3A_596, %dma_wait3A_597, %dma_wait3A_598] : memref<2x1x200x128xf32, #tpu.memory_space<vmem>> -> memref<1x1x200x128xf32, #tpu.memory_space<vmem>>
          %dma_wait3A_600 = tpu.memref_squeeze %dma_wait3A_599 : memref<1x1x200x128xf32, #tpu.memory_space<vmem>> -> memref<1x200x128xf32, #tpu.memory_space<vmem>>
          %dma_wait3A_601 = arith.constant 0 : i32
          %dma_wait3A_602 = arith.constant 0 : i32
          %dma_wait3A_603 = tpu.memref_slice %arg4[%mul3A_595, %dma_wait3A_601, %dma_wait3A_602] : memref<4096x200x128xf32, #tpu.memory_space<hbm>> -> memref<1x200x128xf32, #tpu.memory_space<hbm>>
          %dma_wait3A_604 = tpu.memref_slice %run_scoped3A_13[%rem3A_589] : memref<2x!tpu.dma_semaphore, #tpu.memory_space<semaphore_mem>> -> memref<1x!tpu.dma_semaphore, #tpu.memory_space<semaphore_mem>>
          %dma_wait3A_605 = tpu.memref_squeeze %dma_wait3A_604 : memref<1x!tpu.dma_semaphore, #tpu.memory_space<semaphore_mem>> -> memref<!tpu.dma_semaphore, #tpu.memory_space<semaphore_mem>>
          %dma_wait3A_606 = arith.constant 0 : i32
          %dma_wait3A_607 = arith.constant 0 : i32
          %dma_wait3A_608 = tpu.memref_slice %arg4[%mul3A_595, %dma_wait3A_606, %dma_wait3A_607] : memref<4096x200x128xf32, #tpu.memory_space<hbm>> -> memref<1x200x128xf32, #tpu.memory_space<hbm>>
          %dma_wait3A_609 = arith.constant 0 : i32
          %dma_wait3A_610 = arith.constant 0 : i32
          %dma_wait3A_611 = arith.constant 0 : i32
          %dma_wait3A_612 = tpu.memref_slice %run_scoped3A_12[%rem3A_589, %dma_wait3A_609, %dma_wait3A_610, %dma_wait3A_611] : memref<2x1x200x128xf32, #tpu.memory_space<vmem>> -> memref<1x1x200x128xf32, #tpu.memory_space<vmem>>
          %dma_wait3A_613 = tpu.memref_squeeze %dma_wait3A_612 : memref<1x1x200x128xf32, #tpu.memory_space<vmem>> -> memref<1x200x128xf32, #tpu.memory_space<vmem>>
          tpu.wait_dma2 semaphore(%dma_wait3A_605 : memref<!tpu.dma_semaphore, #tpu.memory_space<semaphore_mem>>) src(%dma_wait3A_613 : memref<1x200x128xf32, #tpu.memory_space<vmem>>) dst(%dma_wait3A_608 : memref<1x200x128xf32, #tpu.memory_space<hbm>>)
          "tpu.trace_stop"() : () -> ()
        } else {
        }
        %and3A_545 = arith.constant true
        %and3A_546 = arith.andi %and3A_541, %and3A_545 : i1
        %add3A_547 = arith.constant 1 : i32
        %add3A_548 = arith.addi %scan3A_199, %add3A_547 : i32
        %select_n3A_549 = arith.select %and3A_546, %add3A_548, %scan3A_199 : i32
        %mul3A_550 = arith.constant 2 : i32
        %mul3A_551 = arith.muli %mul3A_550, %add3A_205 : i32
        %mul3A_552 = arith.constant 2 : i32
        %mul3A_553 = arith.muli %mul3A_552, %add3A_223 : i32
        %ne3A_554 = arith.cmpi ne, %mul3A_551, %mul3A_553 : i32
        %or3A_555 = arith.constant false
        %or3A_556 = arith.ori %or3A_555, %ne3A_554 : i1
        %or3A_557 = arith.constant false
        %or3A_558 = arith.ori %or3A_556, %or3A_557 : i1
        %or3A_559 = arith.ori %or3A_558, %eq3A_204 : i1
        %add3A_560 = arith.constant 1 : i32
        %add3A_561 = arith.addi %scan3A_193, %add3A_560 : i32
        %select_n3A_562 = arith.select %or3A_559, %add3A_561, %scan3A_193 : i32
        %mul3A_563 = arith.constant 2 : i32
        %mul3A_564 = arith.muli %mul3A_563, %add3A_205 : i32
        %add3A_565 = arith.constant 1 : i32
        %add3A_566 = arith.addi %mul3A_564, %add3A_565 : i32
        %mul3A_567 = arith.constant 2 : i32
        %mul3A_568 = arith.muli %mul3A_567, %add3A_223 : i32
        %add3A_569 = arith.constant 1 : i32
        %add3A_570 = arith.addi %mul3A_568, %add3A_569 : i32
        %ne3A_571 = arith.cmpi ne, %add3A_566, %add3A_570 : i32
        %or3A_572 = arith.constant false
        %or3A_573 = arith.ori %or3A_572, %ne3A_571 : i1
        %or3A_574 = arith.constant false
        %or3A_575 = arith.ori %or3A_573, %or3A_574 : i1
        %or3A_576 = arith.ori %or3A_575, %eq3A_204 : i1
        %add3A_577 = arith.constant 1 : i32
        %add3A_578 = arith.addi %scan3A_195, %add3A_577 : i32
        %select_n3A_579 = arith.select %or3A_576, %add3A_578, %scan3A_195 : i32
        %add3A_580 = arith.constant 1 : i32
        %add3A_581 = arith.addi %scan3A_200, %add3A_580 : i32
        %select_n3A_582 = arith.constant true
        %select_n3A_583 = arith.select %select_n3A_582, %add3A_581, %scan3A_200 : i32
        %eq3A_584 = arith.constant 64 : i32
        %eq3A_585 = arith.cmpi eq, %select_n3A_583, %eq3A_584 : i32
        %select_n3A_586 = arith.constant 0 : i32
        %select_n3A_587 = arith.select %eq3A_585, %select_n3A_586, %select_n3A_583 : i32
        scf.yield %select_n3A_247, %select_n3A_562, %select_n3A_273, %select_n3A_579, %select_n3A_439, %select_n3A_523, %select_n3A_463, %select_n3A_549, %select_n3A_587 : i32, i32, i32, i32, i32, i32, i32, i32, i32
      }
      %scan3A_106 = arith.constant 64 : i32
      %sub3A = arith.constant 1 : i32
      %sub3A_107 = arith.subi %scan3A_105#8, %sub3A : i32
      %select_n3A_108 = arith.constant true
      %select_n3A_109 = arith.select %select_n3A_108, %sub3A_107, %scan3A_105#8 : i32
      %eq3A_110 = arith.constant -1 : i32
      %eq3A_111 = arith.cmpi eq, %select_n3A_109, %eq3A_110 : i32
      %select_n3A_112 = arith.constant 63 : i32
      %select_n3A_113 = arith.select %eq3A_111, %select_n3A_112, %select_n3A_109 : i32
      %add3A_114 = arith.addi %select_n3A_113, %mul3A_6 : i32
      %sub3A_115 = arith.constant 1 : i32
      %sub3A_116 = arith.subi %select_n3A_113, %sub3A_115 : i32
      %select_n3A_117 = arith.constant true
      %select_n3A_118 = arith.select %select_n3A_117, %sub3A_116, %select_n3A_113 : i32
      %eq3A_119 = arith.constant -1 : i32
      %eq3A_120 = arith.cmpi eq, %select_n3A_118, %eq3A_119 : i32
      %select_n3A_121 = arith.constant 63 : i32
      %select_n3A_122 = arith.select %eq3A_120, %select_n3A_121, %select_n3A_118 : i32
      %add3A_123 = arith.addi %select_n3A_122, %mul3A_6 : i32
      %add3A_124 = arith.constant 1 : i32
      %add3A_125 = arith.addi %select_n3A_113, %add3A_124 : i32
      %select_n3A_126 = arith.constant true
      %select_n3A_127 = arith.select %select_n3A_126, %add3A_125, %select_n3A_113 : i32
      %eq3A_128 = arith.constant 64 : i32
      %eq3A_129 = arith.cmpi eq, %select_n3A_127, %eq3A_128 : i32
      %select_n3A_130 = arith.constant 0 : i32
      %select_n3A_131 = arith.select %eq3A_129, %select_n3A_130, %select_n3A_127 : i32
      %add3A_132 = arith.addi %select_n3A_131, %mul3A_6 : i32
      %add3A_133 = arith.constant 1 : i32
      %add3A_134 = arith.addi %select_n3A_131, %add3A_133 : i32
      %select_n3A_135 = arith.constant true
      %select_n3A_136 = arith.select %select_n3A_135, %add3A_134, %select_n3A_131 : i32
      %eq3A_137 = arith.constant 64 : i32
      %eq3A_138 = arith.cmpi eq, %select_n3A_136, %eq3A_137 : i32
      %select_n3A_139 = arith.constant 0 : i32
      %select_n3A_140 = arith.select %eq3A_138, %select_n3A_139, %select_n3A_136 : i32
      %add3A_141 = arith.addi %select_n3A_140, %mul3A_6 : i32
      "tpu.trace_start"() <{level = 10 : i32, message = "ep_finalize"}> : () -> ()
      %rem3A_142 = arith.constant 2 : i32
      %rem3A_143 = arith.remui %scan3A_105#5, %rem3A_142 : i32
      %mul3A_144 = arith.constant 2 : i32
      %mul3A_145 = arith.muli %mul3A_144, %add3A_114 : i32
      %mul3A_146 = arith.constant 1 : i32
      %mul3A_147 = arith.muli %mul3A_146, %mul3A_145 : i32
      %dma_wait3A = arith.constant 0 : i32
      %dma_wait3A_148 = arith.constant 0 : i32
      %dma_wait3A_149 = arith.constant 0 : i32
      %dma_wait3A_150 = tpu.memref_slice %run_scoped3A_10[%rem3A_143, %dma_wait3A, %dma_wait3A_148, %dma_wait3A_149] : memref<2x1x200x128xf32, #tpu.memory_space<vmem>> -> memref<1x1x200x128xf32, #tpu.memory_space<vmem>>
      %dma_wait3A_151 = tpu.memref_squeeze %dma_wait3A_150 : memref<1x1x200x128xf32, #tpu.memory_space<vmem>> -> memref<1x200x128xf32, #tpu.memory_space<vmem>>
      %dma_wait3A_152 = arith.constant 0 : i32
      %dma_wait3A_153 = arith.constant 0 : i32
      %dma_wait3A_154 = tpu.memref_slice %arg4[%mul3A_147, %dma_wait3A_152, %dma_wait3A_153] : memref<4096x200x128xf32, #tpu.memory_space<hbm>> -> memref<1x200x128xf32, #tpu.memory_space<hbm>>
      %dma_wait3A_155 = tpu.memref_slice %run_scoped3A_11[%rem3A_143] : memref<2x!tpu.dma_semaphore, #tpu.memory_space<semaphore_mem>> -> memref<1x!tpu.dma_semaphore, #tpu.memory_space<semaphore_mem>>
      %dma_wait3A_156 = tpu.memref_squeeze %dma_wait3A_155 : memref<1x!tpu.dma_semaphore, #tpu.memory_space<semaphore_mem>> -> memref<!tpu.dma_semaphore, #tpu.memory_space<semaphore_mem>>
      %dma_wait3A_157 = arith.constant 0 : i32
      %dma_wait3A_158 = arith.constant 0 : i32
      %dma_wait3A_159 = tpu.memref_slice %arg4[%mul3A_147, %dma_wait3A_157, %dma_wait3A_158] : memref<4096x200x128xf32, #tpu.memory_space<hbm>> -> memref<1x200x128xf32, #tpu.memory_space<hbm>>
      %dma_wait3A_160 = arith.constant 0 : i32
      %dma_wait3A_161 = arith.constant 0 : i32
      %dma_wait3A_162 = arith.constant 0 : i32
      %dma_wait3A_163 = tpu.memref_slice %run_scoped3A_10[%rem3A_143, %dma_wait3A_160, %dma_wait3A_161, %dma_wait3A_162] : memref<2x1x200x128xf32, #tpu.memory_space<vmem>> -> memref<1x1x200x128xf32, #tpu.memory_space<vmem>>
      %dma_wait3A_164 = tpu.memref_squeeze %dma_wait3A_163 : memref<1x1x200x128xf32, #tpu.memory_space<vmem>> -> memref<1x200x128xf32, #tpu.memory_space<vmem>>
      tpu.wait_dma2 semaphore(%dma_wait3A_156 : memref<!tpu.dma_semaphore, #tpu.memory_space<semaphore_mem>>) src(%dma_wait3A_164 : memref<1x200x128xf32, #tpu.memory_space<vmem>>) dst(%dma_wait3A_159 : memref<1x200x128xf32, #tpu.memory_space<hbm>>)
      %rem3A_165 = arith.constant 2 : i32
      %rem3A_166 = arith.remui %scan3A_105#7, %rem3A_165 : i32
      %mul3A_167 = arith.constant 2 : i32
      %mul3A_168 = arith.muli %mul3A_167, %add3A_114 : i32
      %add3A_169 = arith.constant 1 : i32
      %add3A_170 = arith.addi %mul3A_168, %add3A_169 : i32
      %mul3A_171 = arith.constant 1 : i32
      %mul3A_172 = arith.muli %mul3A_171, %add3A_170 : i32
      %dma_wait3A_173 = arith.constant 0 : i32
      %dma_wait3A_174 = arith.constant 0 : i32
      %dma_wait3A_175 = arith.constant 0 : i32
      %dma_wait3A_176 = tpu.memref_slice %run_scoped3A_12[%rem3A_166, %dma_wait3A_173, %dma_wait3A_174, %dma_wait3A_175] : memref<2x1x200x128xf32, #tpu.memory_space<vmem>> -> memref<1x1x200x128xf32, #tpu.memory_space<vmem>>
      %dma_wait3A_177 = tpu.memref_squeeze %dma_wait3A_176 : memref<1x1x200x128xf32, #tpu.memory_space<vmem>> -> memref<1x200x128xf32, #tpu.memory_space<vmem>>
      %dma_wait3A_178 = arith.constant 0 : i32
      %dma_wait3A_179 = arith.constant 0 : i32
      %dma_wait3A_180 = tpu.memref_slice %arg4[%mul3A_172, %dma_wait3A_178, %dma_wait3A_179] : memref<4096x200x128xf32, #tpu.memory_space<hbm>> -> memref<1x200x128xf32, #tpu.memory_space<hbm>>
      %dma_wait3A_181 = tpu.memref_slice %run_scoped3A_13[%rem3A_166] : memref<2x!tpu.dma_semaphore, #tpu.memory_space<semaphore_mem>> -> memref<1x!tpu.dma_semaphore, #tpu.memory_space<semaphore_mem>>
      %dma_wait3A_182 = tpu.memref_squeeze %dma_wait3A_181 : memref<1x!tpu.dma_semaphore, #tpu.memory_space<semaphore_mem>> -> memref<!tpu.dma_semaphore, #tpu.memory_space<semaphore_mem>>
      %dma_wait3A_183 = arith.constant 0 : i32
      %dma_wait3A_184 = arith.constant 0 : i32
      %dma_wait3A_185 = tpu.memref_slice %arg4[%mul3A_172, %dma_wait3A_183, %dma_wait3A_184] : memref<4096x200x128xf32, #tpu.memory_space<hbm>> -> memref<1x200x128xf32, #tpu.memory_space<hbm>>
      %dma_wait3A_186 = arith.constant 0 : i32
      %dma_wait3A_187 = arith.constant 0 : i32
      %dma_wait3A_188 = arith.constant 0 : i32
      %dma_wait3A_189 = tpu.memref_slice %run_scoped3A_12[%rem3A_166, %dma_wait3A_186, %dma_wait3A_187, %dma_wait3A_188] : memref<2x1x200x128xf32, #tpu.memory_space<vmem>> -> memref<1x1x200x128xf32, #tpu.memory_space<vmem>>
      %dma_wait3A_190 = tpu.memref_squeeze %dma_wait3A_189 : memref<1x1x200x128xf32, #tpu.memory_space<vmem>> -> memref<1x200x128xf32, #tpu.memory_space<vmem>>
      tpu.wait_dma2 semaphore(%dma_wait3A_182 : memref<!tpu.dma_semaphore, #tpu.memory_space<semaphore_mem>>) src(%dma_wait3A_190 : memref<1x200x128xf32, #tpu.memory_space<vmem>>) dst(%dma_wait3A_185 : memref<1x200x128xf32, #tpu.memory_space<hbm>>)
      "tpu.trace_stop"() : () -> ()
      tpu.yield
    }) : () -> ()
    return
  }
}

</mosaic_0001>

<sc_bundles>
// kernel: kernel.3.cloned.1.call-start
scs
__scs_entry_jumppad:
0x0: {  	(pc) =	sbr.rel $0x88, $3  }
0x1: {  	(tag) =	ssettag $0x0;
	lr =	simm.s32 $0x1  }
0x2: {  	[smem:$0x3F9F] =	sst lr;
	_ =	strace $0xD0000000  }
0x3: {  	_ = 	snop  }
0x4: {  	_ = 	snop  }
0x5: {  	_ = 	snop  }
0x6: {  	_ = 	snop  }
0x7: {  	_ = 	snop  }
__scs_overlays_trampoline_lowered:
0x8: {  	[smem:$0x3FAE] =	sst s0  }
0x9: {  	[smem:$0x3FAF] =	sst s1  }
0xa: {  	[smem:$0x3FB0] =	sst s2  }
0xb: {  	[smem:$0x3FB1] =	sst s3  }
0xc: {  	[smem:$0x3FB2] =	sst s4  }
0xd: {  	[smem:$0x3FB3] =	sst s5  }
0xe: {  	[smem:$0x3FB4] =	sst s6  }
0xf: {  	[smem:$0x3FB5] =	sst s7  }
0x10: {  	[smem:$0x3FB6] =	sst s8  }
0x11: {  	[smem:$0x3FB7] =	sst s9;
	s0 =	simm.s32 @!p0 $0x0  }
0x12: {  	s1 =	sld [smem:$0x3F9D];
	s0 =	simm.s32 @p0 $0x1  }
0x13: {  	[smem:$0x3FB8] =	sst s0;
	s0 =	simm.s32 @!p1 $0x0  }
0x14: {  	s2 =	sld [smem:$0x3F9C];
	s0 =	simm.s32 @p1 $0x1  }
0x15: {  	[smem:$0x3FB9] =	sst s0;
	s0 =	simm.s32 @!p2 $0x0  }
0x16: {  	s3 =	sld [smem:$0x3FDB];
	s0 =	simm.s32 @p2 $0x1  }
0x17: {  	s4 =	simm.s32 $0x1BF5;
	[smem:$0x3FBB] =	sst s0  }
0x18: {  	s0 =	sld [smem:$0x3F9E];
	_ =	swait.ge [sflag:s4], $0x0  }
0x19: {  	s7 =	sld [smem:$0x3F9F]  }
0x1a: {  	s8 =	sadd.s32 $0xFFFFE003, lr  }
0x1b: {  	s9 =	sadd.s32 $0xFFFFFEF7, lr;
	s5 =	simm.s32 $0xFFFFFFFF;
	p2 =	slt.u32 s8, $0xFFFFF086  }
0x1c: {  	p1 =	slt.u32 s9, $0xF7A;
	s5 =	simm.s32 @!p2 $0x0  }
0x1d: {  	s5 =	simm.s32 @p1 $0x1;
	p0 =	seq.s32 s7, s2  }
0x1e: {  	s7 =	smul.u32 @!p0 $0xF7A, s2;
	p2 =	seq.s32 @!p0 s5, $0x0  }
0x1f: {  	s9 =	smul.u32 $0xF7A, s1;
	s8 =	simm.s32 @!p0 $0x1BF5;
	p2 =	por !p2, p0  }
0x20: {  	[sflag:s8] =	ssyncset.s32 @!p0 $0xFFFFF086;
	s6 =	sadd.s32 @!p0 s3, s7;
	s7 =	simm.s32 @!p0 $0x108  }
0x21: {  	s3 =	sadd.s32 s3, s9;
	s6 =	sadd.s32 @!p0 $0x88, s6;
	s7 =	simm.s32 @p2 $0x1082  }
0x22: {  	[simem:s7], [sflag:s8] =	dma.local @!p0 [hbm:s6], $0xF7A  }
0x23: {  	s9 =	sor.u32 $0xD0000000, s2;
	s6 =	simm.s32 $0x108;
	_ =	swait.ge @!p0 [sflag:s8], $0x0  }
0x24: {  	s3 =	sadd.s32 $0x88, s3;
	s6 =	simm.s32 @!p1 $0x1082;
	[sflag:s4] =	ssyncset.s32 $0xFFFFF086  }
0x25: {  	[simem:s6], [sflag:s4] =	dma.local [hbm:s3], $0xF7A  }
0x26: {  	[smem:$0x3F9F] =	sst s1;
	(tag) =	ssettag s2;
	_ =	strace s9  }
0x27: {  	s1 =	sld [smem:$0x3FAF]  }
0x28: {  	s2 =	sld [smem:$0x3FB0]  }
0x29: {  	s4 =	sld [smem:$0x3FB2]  }
0x2a: {  	p0 =	seq.s32 s5, $0x0;
	s5 =	sld [smem:$0x3FB3]  }
0x2b: {  	s6 =	sld [smem:$0x3FB4]  }
0x2c: {  	s7 =	sld [smem:$0x3FB5]  }
0x2d: {  	s3 =	simm.s32 $0x108;
	s8 =	sld [smem:$0x3FB6]  }
0x2e: {  	s3 =	simm.s32 @!p0 $0x1082;
	s9 =	sld [smem:$0x3FB7]  }
0x2f: {  	lr =	sadd.s32 s0, s3;
	s0 =	sld [smem:$0x3FAE]  }
0x30: {  	s3 =	sld [smem:$0x3FB1]  }
0x31: {  	[smem:$0x3FBA] =	sst s10  }
0x32: {  	s10 =	sld [smem:$0x3FB8];
	_ =	sdelay $0x3  }
0x33: {  	p0 =	seq.s32 s10, $0x1;
	s10 =	sld [smem:$0x3FBA];
	_ =	sdelay $0x3  }
0x34: {  	[smem:$0x3FBA] =	sst s10  }
0x35: {  	s10 =	sld [smem:$0x3FB9];
	_ =	sdelay $0x3  }
0x36: {  	p1 =	seq.s32 s10, $0x1;
	s10 =	sld [smem:$0x3FBA];
	_ =	sdelay $0x3  }
0x37: {  	[smem:$0x3FBA] =	sst s10  }
0x38: {  	s10 =	sld [smem:$0x3FBB]  }
0x39: {  	_ = 	snop;
	(pc) =	sbr.ind lr, $3  }
0x3a: {  	_ = 	snop  }
0x3b: {  	_ = 	snop  }
0x3c: {  	p2 =	seq.s32 s10, $0x1;
	s10 =	sld [smem:$0x3FBA]  }
0x3d: {  	_ =	shalt  }
0x3e: {  	_ =	shalt  }
0x3f: {  	_ =	shalt  }
0x40: {  	_ =	shalt  }
0x41: {  	_ =	shalt  }
0x42: {  	_ =	shalt  }
0x43: {  	_ =	shalt  }
0x44: {  	_ =	shalt  }
0x45: {  	_ =	shalt  }
0x46: {  	_ =	shalt  }
0x47: {  	_ =	shalt  }
0x48: {  	_ =	shalt  }
0x49: {  	_ =	shalt  }
0x4a: {  	_ =	shalt  }
0x4b: {  	_ =	shalt  }
0x4c: {  	_ =	shalt  }
0x4d: {  	_ =	shalt  }
0x4e: {  	_ =	shalt  }
0x4f: {  	_ =	shalt  }
0x50: {  	_ =	shalt  }
0x51: {  	_ =	shalt  }
0x52: {  	_ =	shalt  }
0x53: {  	_ =	shalt  }
0x54: {  	_ =	shalt  }
0x55: {  	_ =	shalt  }
0x56: {  	_ =	shalt  }
0x57: {  	_ =	shalt  }
0x58: {  	_ =	shalt  }
0x59: {  	_ =	shalt  }
0x5a: {  	_ =	shalt  }
0x5b: {  	_ =	shalt  }
0x5c: {  	_ =	shalt  }
0x5d: {  	_ =	shalt  }
0x5e: {  	_ =	shalt  }
0x5f: {  	_ =	shalt  }
0x60: {  	_ =	shalt  }
0x61: {  	_ =	shalt  }
0x62: {  	_ =	shalt  }
0x63: {  	_ =	shalt  }
0x64: {  	_ =	shalt  }
0x65: {  	_ =	shalt  }
0x66: {  	_ =	shalt  }
0x67: {  	_ =	shalt  }
0x68: {  	_ =	shalt  }
0x69: {  	_ =	shalt  }
0x6a: {  	_ =	shalt  }
0x6b: {  	_ =	shalt  }
0x6c: {  	_ =	shalt  }
0x6d: {  	_ =	shalt  }
0x6e: {  	_ =	shalt  }
0x6f: {  	_ =	shalt  }
0x70: {  	_ =	shalt  }
0x71: {  	_ =	shalt  }
0x72: {  	_ =	shalt  }
0x73: {  	_ =	shalt  }
0x74: {  	_ =	shalt  }
0x75: {  	_ =	shalt  }
0x76: {  	_ =	shalt  }
0x77: {  	_ =	shalt  }
0x78: {  	_ =	shalt  }
0x79: {  	_ =	shalt  }
0x7a: {  	_ =	shalt  }
0x7b: {  	_ =	shalt  }
0x7c: {  	_ =	shalt  }
0x7d: {  	_ =	shalt  }
0x7e: {  	_ =	shalt  }
0x7f: {  	_ =	shalt  }
0x80: {  	_ =	shalt  }
0x81: {  	_ =	shalt  }
0x82: {  	_ =	shalt  }
0x83: {  	_ =	shalt  }
0x84: {  	_ =	shalt  }
0x85: {  	_ =	shalt  }
0x86: {  	_ =	shalt  }
0x87: {  	_ =	shalt  }
.Lfunc_end0:
.L_simem_size_0:
called_computation.1_lowered:
.L_overlay_start_0:
0x88: {  	s2 =	sld [smem:$0x3FD9]  }
0x89: {  	s3 =	sld [smem:$0x3FFE];
	_ =	sdelay $0x1  }
0x8a: {  	s1 =	srdreg.scid  }
0x8b: {  	s0 =	sand.u32 $0x1, s1  }
0x8c: {  	s17 =	sshll.u32 s0, $0xA;
	s2 =	sadd.s32 s3, s2  }
0x8d: {  	s2 =	sadd.s32 s2, s17  }
0x8e: {  	[smem:$0x3FC6] =	sst s2  }
0x8f: {  	_ = 	snop  }
0x90: {  	s2 =	sld [smem:$0x3FD0];
	(tm) =	ssettm $0x1  }
0x91: {  	s18 =	sld [smem:$0x3FFB];
	_ =	sdelay $0x3  }
0x92: {  	_ =	strace s18  }
0x93: {  	s3 =	sld [smem:$0x3FFC];
	_ =	sdelay $0x3  }
0x94: {  	_ =	strace s3  }
0x95: {  	s3 =	sld [smem:$0x3FFD];
	_ =	sdelay $0x3  }
0x96: {  	_ =	strace s3  }
0x97: {  	_ =	strace $0x8FFFFFFF  }
0x98: {  	s19 =	sld [smem:$0x3FDB];
	_ =	sdelay $0x1  }
0x99: {  	s4 =	simm.s32 $_scs_section_size  }
0x9a: {  	s5 =	simm.s32 $_size__tile_overlayer_lowered;
	s6 =	simm.s32 $_tile_overlayer_lowered  }
0x9b: {  	s22 =	simm.s32 $0x1BFF;
	s21 =	sshll.u32 s6, $0x1;
	s3 =	sadd.s32 s4, s19  }
0x9c: {  	s7 =	simm.s32 $0x0;
	s20 =	sshll.u32 s5, $0x1;
	s5 =	sadd.s32 s21, s3  }
0x9d: {  	[timem:s7], [sflag:s22] =	dma.local [hbm:s5], s20  }
0x9e: {  	_ =	swait.ge [sflag:s22], s20  }
0x9f: {  	s4 =	ssub.s32 $0x0, s20;
	[sflag:s22] =	ssyncset.done $0x0  }
0xa0: {  	[sflag:s22] =	ssyncadd.s32 s4;
	_ =	sdelay $0x1  }
0xa1: {  	s23 =	simm.s32 $0x1B8B  }
0xa2: {  	_ =	swait.ge [sflag:s23], $0x1  }
0xa3: {  	[sflag:s23] =	ssyncset.done $0x0  }
0xa4: {  	s25 =	simm.s32 $0x1B8E;
	s24 =	sld [smem:$0x3FFE];
	[sflag:s23] =	ssyncadd.s32 $0xFFFFFFFF  }
0xa5: {  	s26 =	simm.s32 $execute0_lowered;
	[smem:$0x3FD2] =	sst s25  }
0xa6: {  	s5 =	sshll.u32 s26, $0x1;
	_ =	strace $0x80000046;
	[dreg:$0x1] =	wrdreg $0xFFFFFFFF  }
0xa7: {  	s28 =	simm.s32 $_size_execute0_lowered;
	s3 =	sadd.s32 s3, s5;
	[dreg:$0x0] =	wrdreg $0x0  }
0xa8: {  	s5 =	sshll.u32 s28, $0x1;
	[dreg:$0x2] =	wrdreg s3  }
0xa9: {  	[dreg:$0x3] =	wrdreg s5  }
0xaa: {  	[dreg:$0x4] =	wrdreg $0xC0  }
0xab: {  	_ =	task [dreg:s7], $0x5FFFF  }
0xac: {  	[dreg:$0x1] =	wrdreg $0xFFFFFFFF  }
0xad: {  	[dreg:$0x0] =	wrdreg $0x60  }
0xae: {  	[dreg:$0x2] =	wrdreg s24  }
0xaf: {  	[dreg:$0x3] =	wrdreg s2  }
0xb0: {  	[dreg:$0x4] =	wrdreg $0x9  }
0xb1: {  	_ =	task.clear_ibuf [dreg:s7], $0x5FFFF;
	_ =	strace $0x90000046  }
0xb2: {  	s29 =	simm.s32 $0x9;
	_ =	strace $0x80000053  }
0xb3: {  	_ =	swait.ge [sflag:s29], $0x1  }
0xb4: {  	[sflag:s29] =	ssyncadd.s32 $0xFFFFFFFF  }
0xb5: {  	_ =	strace $0x90000053  }
0xb6: {  	_ =	sfence  }
0xb7: {  	s30 =	sld [smem:$0x0];
	_ =	sdelay $0x2  }
0xb8: {  	s31 =	sshll.u32 s1, $0xD;
	s1 =	sshrl.u32 s1, $0x2  }
0xb9: {  	s3 =	sand.u32 $0x4000, s31;
	s1 =	sadd.s32 s1, s30  }
0xba: {  	s0 =	sor.u32 s3, s0;
	s1 =	sshll.u32 s1, $0x11  }
0xbb: {  	s0 =	sor.u32 s1, s0  }
0xbc: {  	s0 =	sadd.s32 $0x8F2B, s0  }
0xbd: {  	[sflag:s0] =	ssyncadd.remote.s32 $0x1  }
0xbe: {  	_ =	sfence.sel $0xFFFF  }
0xbf: {  	[dreg:$0x0] =	wrdreg $0xFFFFFFFF;
	(pc) =	sbr.abs _section_cstart, $3  }
0xc0: {  	[dreg:$0x1] =	wrdreg $0xFFFFFFFF  }
0xc1: {  	_ =	task.clear_ibuf [dreg:s7], $0x2FFFF;
	_ =	strace $0x9FFFFFFF  }
0xc2: {  	(tm) =	ssettm $0x7FFFFFFF  }
0xc3: {  	_ =	shalt  }
tec
execute0_lowered:
.L_overlay_start_1:
0x0: {  	(tag) =	ssettag $0x1  }
0x1: {  	s0 =	rddreg [dreg:$0x0]  }
0x2: {  	s1 =	rddreg [dreg:$0x1];
	s2 =	srdreg.scid;
	s3 =	simm.s32 $0x0  }
0x3: {  	s30 =	stileid.u32;
	s10 =	simm.s32 $0x80;
	s11 =	simm.s32 $0x400  }
0x4: {  	s13 =	simm.s32 $0xC8;
	s14 =	simm.s32 $0x9;
	s4 =	sand.u32 $0x1, s2  }
0x5: {  	s15 =	simm.s32 $0x0;
	[smem:$0x7FF] =	sst s3;
	s5 =	sshll.u32 s4, $0x4  }
0x6: {  	_ =	strace $0x80000047;
	s6 =	ssub.s32 $0x2, s4;
	s7 =	sor.u32 s30, s5  }
0x7: {  	s4 =	sadd.s32 $0xF42E00, s0;
	s8 =	sshrl.u32 s6, $0x1;
	s9 =	sshll.u32 s7, $0xC  }
0x8: {  	s5 =	sadd.s32 $0xA00, s0;
	s31 =	ssub.s32 s6, s8;
	s6 =	sadd.s32 s1, s9  }
0x9: {  	s7 =	sshll.u32 s7, $0x6;
	s9 =	smax.u32 s31, $0x1;
	s8 =	sadd.s32 $0x10, s6  }
.LBB2_1:
0xa: {  	_ =	strace $0x80000048  }
0xb: {  	s0 =	simm.s32 $0x200;
	s25 =	simm.s32 $0x1;
	s17 =	simm.s32 $0x40  }
0xc: {  	s18 =	simm.s32 $0x0;
	s16 =	simm.s32 $0x0;
	s19 =	simm.s32 $0x0  }
0xd: {  	[tilespmem:s3], [sflag:$0x1] =	stream.strided.gather [hbm4b:s6+s10], $0x100, s11, s10, $0x200038;
	[tilespmem:$0x19400] =	vst v63  }
0xe: {  	s24 =	simm.s32 $0x0;
	s20 =	simm.s32 $0x0;
	s21 =	simm.s32 $0x0  }
0xf: {  	[tilespmem:s0], [sflag:$0x3] =	stream.strided.gather [hbm4b:s8+s10], $0x100, s11, s10, $0x200038;
	[tilespmem:$0x19400] =	vst v63  }
0x10: {  	s22 =	simm.s32 $0x1;
	s23 =	simm.s32 $0x0;
	_ =	strace $0x90000048  }
.LBB2_2:
0x11: {  	s26 =	sadd.s32 s7, s18  }
0x12: {  	s0 =	sadd.s32 $0x7FFFFFFF, s18;
	p2 =	seq.s32 s18, $0x0;
	s18 =	sadd.s32 $0x1, s18  }
0x13: {  	p0 =	seq.s32 s18, $0x40  }
0x14: {  	s18 =	simm.s32 @p0 $0x0  }
0x15: {  	s28 =	sadd.s32 s7, s18  }
0x16: {  	s29 =	sshll.u32 s26, $0x1;
	p0 =	seq.s32 s17, $0x1;
	s30 =	sshll.u32 s28, $0x1  }
0x17: {  	s0 =	simm.s32 @p2 $0x3F;
	p1 =	seq.s32 @!p0 s29, s30  }
0x18: {  	p2 =	seq.s32 s17, $0x40;
	s0 =	sadd.s32 s7, s0;
	p3 =	por p1, p0  }
0x19: {  	s0 =	sshll.u32 s0, $0x1;
	s28 =	sshll.u32 @!p3 s28, $0x9;
	s30 =	sshll.u32 @!p3 s18, $0x8  }
0x1a: {  	p4 =	seq.s32 @!p2 s29, s0;
	s28 =	sand.u32 @!p3 $0xFFFFF800, s28;
	s30 =	sand.u32 @!p3 $0x300, s30  }
0x1b: {  	_ =	strace @!p3 $0x80000049;
	s2 =	simm.s32 @!p3 $0x80;
	s28 =	sor.u32 @!p3 s30, s28  }
0x1c: {  	s12 =	simm.s32 @!p3 $0x400;
	s30 =	sand.u32 @!p3 $0x1, s25;
	s28 =	sshrl.u32 @!p3 s28, $0x3  }
0x1d: {  	s31 =	sshll.u32 @!p3 s30, $0x8;
	s30 =	sadd.s32 @!p3 $0x1, s30;
	s28 =	sadd.s32 @!p3 s1, s28  }
0x1e: {  	[tilespmem:s31], [sflag:s30] =	stream.strided.gather @!p3 [hbm4b:s28+s2], $0x100, s12, s2, $0x200038;
	[tilespmem:$0x19400] =	vst v63  }
0x1f: {  	p5 =	por p2, !p4;
	s30 =	sand.u32 @!p3 $0x1, s22  }
0x20: {  	s28 =	sadd.s32 @!p3 $0x10, s28;
	_ =	strace @!p3 $0x90000049;
	s31 =	sshll.u32 @!p3 s30, $0x8  }
0x21: {  	s30 =	sadd.s32 @!p3 $0x3, s30;
	_ =	strace @!p3 $0x8000004A;
	s31 =	sor.u32 @!p3 $0x200, s31  }
0x22: {  	[tilespmem:s31], [sflag:s30] =	stream.strided.gather @!p3 [hbm4b:s28+s2], $0x100, s12, s2, $0x200038;
	[tilespmem:$0x19400] =	vst v63  }
0x23: {  	s0 =	sand.u32 @p5 $0x1, s23;
	_ =	strace @!p3 $0x9000004A  }
0x24: {  	s0 =	sadd.s32 @p5 $0x1, s0;
	_ =	strace @p5 $0x8000004B  }
0x25: {  	_ =	swait.ge @p5 [sflag:s0], $0x100  }
0x26: {  	[sflag:s0] =	ssyncset.done @p5 $0x0  }
0x27: {  	[sflag:s0] =	ssyncadd.s32 @p5 $0xFFFFFF00  }
0x28: {  	s0 =	sand.u32 @p5 $0x1, s21;
	_ =	strace @p5 $0x9000004B  }
0x29: {  	s0 =	sadd.s32 @p5 $0x3, s0;
	_ =	strace @p5 $0x8000004C  }
0x2a: {  	s30 =	sand.u32 $0x1, s20;
	_ =	swait.ge @p5 [sflag:s0], $0x100  }
0x2b: {  	s12 =	smul.u32 $0x19000, s30;
	[sflag:s0] =	ssyncset.done @p5 $0x0  }
0x2c: {  	s29 =	sand.u32 $0x1, s19;
	s28 =	sshll.u32 s23, $0x8;
	[sflag:s0] =	ssyncadd.s32 @p5 $0xFFFFFF00  }
0x2d: {  	s2 =	sand.u32 $0x100, s28;
	s0 =	sshrl.u32 s12, $0x2;
	_ =	strace @p5 $0x9000004C  }
0x2e: {  	s12 =	smul.u32 $0x19000, s29;
	s31 =	sadd.s32 $0x400, s0;
	_ =	strace $0x8000004D  }
0x2f: {  	[tilespmem:s31], [sflag:$0x9] =	stream.indirect.gather [hbm4b:s4+s13], $0x80, s2, s13, $0x2000b8;
	[tilespmem:$0x19400] =	vst v63  }
0x30: {  	s28 =	sshll.u32 s21, $0x8;
	_ =	swait.ge [sflag:s14], $0x6400  }
0x31: {  	s0 =	sshrl.u32 s12, $0x2;
	s2 =	sand.u32 $0x100, s28;
	[sflag:s14] =	ssyncset.done $0x0  }
0x32: {  	s0 =	sadd.s32 $0xCC00, s0;
	s2 =	sor.u32 $0x200, s2;
	[sflag:s14] =	ssyncadd.s32 $0xFFFF9C00  }
0x33: {  	[tilespmem:s0], [sflag:$0x9] =	stream.indirect.gather [hbm4b:s4+s13], $0x80, s2, s13, $0x2000b8;
	[tilespmem:$0x19400] =	vst v63  }
0x34: {  	p5 =	por p0, !p1;
	_ =	swait.ge [sflag:s14], $0x6400  }
0x35: {  	s2 =	smul.u32 @p5 $0xC800, s26;
	[sflag:s14] =	ssyncset.done $0x0  }
0x36: {  	s20 =	sadd.s32 @p5 $0x1, s20;
	[sflag:s14] =	ssyncadd.s32 $0xFFFF9C00  }
0x37: {  	s26 =	sadd.s32 @p5 $0x5, s30;
	s12 =	sshrl.u32 @p5 s2, $0x3;
	_ =	strace $0x9000004D  }
0x38: {  	s2 =	sadd.s32 @p5 $0x6400, s2;
	s12 =	sadd.s32 @p5 s5, s12;
	_ =	strace @p5 $0x8000004E  }
0x39: {  	[hbm4b:s12+s3] =	stream.linear.scatter @p5 [tilespmem:s31], [sflag:s26], $0x6400, $0x200038;
	[tilespmem:$0x19400] =	vst v63  }
0x3a: {  	s28 =	simm.s32 $0x0;
	s2 =	sshrl.u32 @p5 s2, $0x3;
	_ =	strace @p5 $0x9000004E  }
0x3b: {  	s2 =	sadd.s32 @p5 s5, s2;
	s12 =	sadd.s32 @p5 $0x7, s29;
	_ =	strace @p5 $0x8000004F  }
0x3c: {  	[hbm4b:s2+s3] =	stream.linear.scatter @p5 [tilespmem:s0], [sflag:s12], $0x6400, $0x200038;
	[tilespmem:$0x19400] =	vst v63  }
0x3d: {  	s28 =	simm.s32 @p5 $0x1;
	_ =	strace @p5 $0x9000004F;
	p5 =	por p4, p2  }
0x3e: {  	s0 =	sand.u32 @!p5 $0x1, s24  }
0x3f: {  	_ =	strace @!p5 $0x80000050;
	s0 =	sadd.s32 @!p5 $0x5, s0  }
0x40: {  	_ =	swait.ge @!p5 [sflag:s0], $0x6400  }
0x41: {  	p1 =	por !p1, p0;
	s26 =	smov.u32 s25;
	[sflag:s0] =	ssyncset.done @!p5 $0x0  }
0x42: {  	s2 =	sadd.s32 @!p3 $0x1, s25;
	[sflag:s0] =	ssyncadd.s32 @!p5 $0xFFFF9C00;
	s0 =	simm.s32 $0x0  }
0x43: {  	s17 =	sadd.s32 $0xFFFFFFFF, s17;
	s26 =	smov.u32 @p1 s2;
	s0 =	simm.s32 @p1 $0x1  }
0x44: {  	s26 =	smov.u32 @p0 s25;
	s2 =	sadd.s32 @!p5 $0x1, s24;
	s0 =	simm.s32 @p0 $0x0  }
0x45: {  	p0 =	por !p4, p2;
	s22 =	sadd.s32 s22, s0;
	s0 =	smov.u32 s24  }
0x46: {  	s12 =	sand.u32 @!p5 $0x1, s16;
	s0 =	smov.u32 @p0 s2;
	s2 =	simm.s32 $0x0  }
0x47: {  	_ =	strace @!p5 $0x90000050;
	s2 =	simm.s32 @p0 $0x1;
	p0 =	sne.s32 s17, $0x0  }
.Ltmp0:
0x48: {  	s12 =	sadd.s32 @!p5 $0x7, s12;
	_ =	strace @!p5 $0x80000051;
	(pc) =	sbr.rel @p0 .LBB2_2-.Ltmp0, $4  }
0x49: {  	s19 =	sadd.s32 s19, s28;
	s23 =	sadd.s32 s23, s28;
	_ =	swait.ge @!p5 [sflag:s12], $0x6400  }
0x4a: {  	s21 =	sadd.s32 s21, s28;
	s25 =	smov.u32 s26;
	[sflag:s12] =	ssyncset.done @!p5 $0x0  }
0x4b: {  	[sflag:s12] =	ssyncadd.s32 @!p5 $0xFFFF9C00;
	s0 =	smov.u32 @p2 s24;
	s2 =	simm.s32 @p2 $0x0  }
0x4c: {  	_ =	strace @!p5 $0x90000051;
	s24 =	smov.u32 s0;
	s16 =	sadd.s32 s16, s2  }
0x4d: {  	s0 =	sand.u32 $0x1, s0  }
0x4e: {  	_ =	strace $0x80000052;
	s0 =	sadd.s32 $0x5, s0  }
0x4f: {  	s15 =	sadd.s32 $0x1, s15;
	_ =	swait.ge [sflag:s0], $0x6400  }
0x50: {  	s2 =	sand.u32 $0x1, s16;
	p0 =	sne.s32 s15, s9;
	[sflag:s0] =	ssyncset.done $0x0  }
.Ltmp1:
0x51: {  	s31 =	sadd.s32 $0x7, s2;
	[sflag:s0] =	ssyncadd.s32 $0xFFFF9C00;
	(pc) =	sbr.rel @p0 .LBB2_1-.Ltmp1, $4  }
0x52: {  	_ =	swait.ge [sflag:s31], $0x6400  }
0x53: {  	[sflag:s31] =	ssyncset.done $0x0  }
0x54: {  	[sflag:s31] =	ssyncadd.s32 $0xFFFF9C00  }
0x55: {  	_ =	strace $0x90000052  }
0x56: {  	_ =	sfence.sel $0x180000  }
0x57: {  	[bflag:$0x0] =	sbarrier.arrive $0xFFFF  }
0x58: {  	_ =	strace $0x90000047  }
0x59: {  	s0 =	stileid.u32;
	[bflag:$0x2] =	sbarrier.arrive $0xFFFF  }
0x5a: {  	p0 =	sne.s32 s0, $0x0;
	s0 =	rddreg [dreg:$0x2]  }
0x5b: {  	s0 =	sadd.s32 @!p0 $0x100000, s0  }
0x5c: {  	[sflag:s0] =	ssyncadd.tile.s32 @!p0 $0x1;
	_ =	shalt  }
.Lfunc_end2:
_tile_overlayer_lowered:
.L_overlay_start_2:
0x5d: {  	(tag) =	ssettag $0x2  }
0x5e: {  	s0 =	rddreg [dreg:$0x0];
	s2 =	stileid.u32  }
0x5f: {  	s1 =	rddreg [dreg:$0x1];
	p0 =	sne.s32 s2, $0x0  }
0x60: {  	s3 =	rddreg [dreg:$0x2];
	[bflag:$0x3] =	sbarrier.arrive $0xFFFF;
	s2 =	simm.s32 @!p0 $0x1C01  }
0x61: {  	[timem:s3], [sflag:s2] =	dma.local @!p0 [hbm:s0], s1  }
0x62: {  	s0 =	simm.s32 @!p0 $0x1  }
0x63: {  	_ =	swait.ge @!p0 [sflag:s0], s1  }
0x64: {  	s1 =	ssub.s32 @!p0 $0x0, s1;
	[sflag:s0] =	ssyncset.done @!p0 $0x0  }
0x65: {  	[sflag:s0] =	ssyncadd.s32 @!p0 s1  }
0x66: {  	[bflag:$0x3] =	sbarrier.arrive $0xFFFF  }
0x67: {  	_ =	shalt  }

// kernel: sparse-core-data-format-call.cloned.1.call-start
scs
called_computation_lowered:
.L_overlay_start_0:
0x0: {  	s2 =	sld [smem:$0x3FD9]  }
0x1: {  	s3 =	sld [smem:$0x3FFE];
	_ =	sdelay $0x1  }
0x2: {  	s1 =	srdreg.scid  }
0x3: {  	s0 =	sand.u32 $0x1, s1  }
0x4: {  	s18 =	sshll.u32 s0, $0xA;
	s2 =	sadd.s32 s3, s2  }
0x5: {  	s2 =	sadd.s32 s2, s18  }
0x6: {  	[smem:$0x3FC6] =	sst s2  }
0x7: {  	_ = 	snop  }
0x8: {  	s2 =	sld [smem:$0x3FD0];
	(tm) =	ssettm $0x1  }
0x9: {  	s19 =	sld [smem:$0x3FFB];
	_ =	sdelay $0x3  }
0xa: {  	_ =	strace s19  }
0xb: {  	s3 =	sld [smem:$0x3FFC];
	_ =	sdelay $0x3  }
0xc: {  	_ =	strace s3  }
0xd: {  	s3 =	sld [smem:$0x3FFD];
	_ =	sdelay $0x3  }
0xe: {  	_ =	strace s3  }
0xf: {  	_ =	strace $0x8FFFFFFF  }
0x10: {  	s20 =	sld [smem:$0x3FDB];
	_ =	sdelay $0x1  }
0x11: {  	s4 =	simm.s32 $_scs_section_size  }
0x12: {  	s5 =	simm.s32 $_size__tile_overlayer_lowered;
	s6 =	simm.s32 $_tile_overlayer_lowered  }
0x13: {  	s23 =	simm.s32 $0x1BFF;
	s22 =	sshll.u32 s6, $0x1;
	s3 =	sadd.s32 s4, s20  }
0x14: {  	s7 =	simm.s32 $0x0;
	s21 =	sshll.u32 s5, $0x1;
	s5 =	sadd.s32 s22, s3  }
0x15: {  	[timem:s7], [sflag:s23] =	dma.local [hbm:s5], s21  }
0x16: {  	_ =	swait.ge [sflag:s23], s21  }
0x17: {  	s4 =	ssub.s32 $0x0, s21;
	[sflag:s23] =	ssyncset.done $0x0  }
0x18: {  	[sflag:s23] =	ssyncadd.s32 s4;
	_ =	sdelay $0x1  }
0x19: {  	s24 =	simm.s32 $0x1B8B  }
0x1a: {  	_ =	swait.ge [sflag:s24], $0x1  }
0x1b: {  	[sflag:s24] =	ssyncset.done $0x0  }
0x1c: {  	s26 =	simm.s32 $0x1B8E;
	s25 =	sld [smem:$0x3FFE];
	[sflag:s24] =	ssyncadd.s32 $0xFFFFFFFF  }
0x1d: {  	s27 =	simm.s32 $execute0_lowered;
	[smem:$0x3FD2] =	sst s26  }
0x1e: {  	s5 =	sshll.u32 s27, $0x1;
	_ =	strace $0x80000054;
	[dreg:$0x1] =	wrdreg $0xFFFFFFFF  }
0x1f: {  	s28 =	simm.s32 $_size_execute0_lowered;
	s3 =	sadd.s32 s3, s5;
	[dreg:$0x0] =	wrdreg $0x0  }
0x20: {  	s5 =	sshll.u32 s28, $0x1;
	[dreg:$0x2] =	wrdreg s3  }
0x21: {  	[dreg:$0x3] =	wrdreg s5  }
0x22: {  	[dreg:$0x4] =	wrdreg $0xC0  }
0x23: {  	_ =	task [dreg:s7], $0x5FFFF  }
0x24: {  	[dreg:$0x1] =	wrdreg $0xFFFFFFFF  }
0x25: {  	[dreg:$0x0] =	wrdreg $0x60  }
0x26: {  	[dreg:$0x2] =	wrdreg s25  }
0x27: {  	[dreg:$0x3] =	wrdreg s2  }
0x28: {  	[dreg:$0x4] =	wrdreg $0x9  }
0x29: {  	_ =	task.clear_ibuf [dreg:s7], $0x5FFFF;
	_ =	strace $0x90000054  }
0x2a: {  	s29 =	simm.s32 $0x9;
	_ =	strace $0x80000056  }
0x2b: {  	_ =	swait.ge [sflag:s29], $0x1  }
0x2c: {  	[sflag:s29] =	ssyncadd.s32 $0xFFFFFFFF  }
0x2d: {  	_ =	strace $0x90000056  }
0x2e: {  	_ =	sfence  }
0x2f: {  	s30 =	sld [smem:$0x0];
	_ =	sdelay $0x2  }
0x30: {  	s31 =	sshll.u32 s1, $0xD;
	s1 =	sshrl.u32 s1, $0x2  }
0x31: {  	s3 =	sand.u32 $0x4000, s31;
	s1 =	sadd.s32 s1, s30  }
0x32: {  	s0 =	sor.u32 s3, s0;
	s1 =	sshll.u32 s1, $0x11  }
0x33: {  	s0 =	sor.u32 s1, s0  }
0x34: {  	s0 =	sadd.s32 $0x8F2B, s0  }
0x35: {  	[sflag:s0] =	ssyncadd.remote.s32 $0x1  }
0x36: {  	_ =	sfence.sel $0xFFFF  }
0x37: {  	[dreg:$0x0] =	wrdreg $0xFFFFFFFF;
	(pc) =	sbr.abs _section_cstart, $3  }
0x38: {  	[dreg:$0x1] =	wrdreg $0xFFFFFFFF  }
0x39: {  	_ =	task.clear_ibuf [dreg:s7], $0x2FFFF;
	_ =	strace $0x9FFFFFFF  }
0x3a: {  	(tm) =	ssettm $0x7FFFFFFF  }
0x3b: {  	_ =	shalt  }
tec
execute0_lowered:
.L_overlay_start_1:
0x0: {  	(tag) =	ssettag $0x1  }
0x1: {  	s0 =	srdreg.scid  }
0x2: {  	s1 =	sshll.u32 s0, $0x4  }
0x3: {  	s0 =	stileid.u32;
	s1 =	sand.u32 $0x10, s1  }
0x4: {  	s1 =	sor.u32 s0, s1  }
0x5: {  	s6 =	rddreg [dreg:$0x0];
	s4 =	simm.s32 $0x1;
	s2 =	sshll.u32 s1, $0x7  }
0x6: {  	s7 =	simm.s32 $0x2;
	s12 =	simm.s32 $0x0;
	s1 =	ssub.s32 $0x1000, s2  }
0x7: {  	s8 =	simm.s32 $0x8000;
	s13 =	simm.s32 $0x0;
	s3 =	sand.u32 $0xF80, s1  }
0x8: {  	s9 =	simm.s32 $0x0;
	s5 =	sshrl.u32 s1, $0xC;
	p0 =	sne.s32 s3, $0x0  }
.Ltmp0:
0x9: {  	s1 =	rddreg [dreg:$0x2];
	s4 =	simm.s32 @!p0 $0x0;
	(pc) =	sbr.rel .LBB1_1-.Ltmp0, $4  }
0xa: {  	s11 =	simm.s32 $0x0;
	s3 =	rddreg [dreg:$0x1];
	s5 =	sadd.s32 s4, s5  }
0xb: {  	_ =	strace $0x80000055;
	s4 =	simm.s32 $0x1;
	s5 =	smul.u32 $0xC8, s5  }
0xc: {  	s6 =	sadd.s32 $0xA00, s6;
	s10 =	smov.u32 s2;
	[sflag:s4] =	ssyncpa.u1 $0x0  }
0xd: {  	p0 =	por $0x0, $0x0;
	[sflag:s7] =	ssyncpa.u1 $0x0;
	s7 =	sor.u32 $0x1, s5  }
.LBB1_4:
0xe: {  	s16 =	sshll.u32 s13, $0x3;
	s17 =	sand.u32 $0x78, s13  }
0xf: {  	s30 =	sand.u32 $0x7E00, s13;
	s12 =	sshll.u32 s12, $0xF;
	s16 =	sand.u32 $0xC00, s16  }
0x10: {  	[tilespmem:s15+$0x810 ss:$0x81] =	vst.msk $0xffff, v2;
	s31 =	sand.u32 $0x7, s13;
	s16 =	sor.u32 s17, s16;
	s17 =	sadd.s32 s3, s30  }
0x11: {  	[tilespmem:s15+$0x1020 ss:$0x81] =	vst.msk $0xffff, v0;
	s13 =	sshll.u32 s31, $0x12;
	s12 =	sadd.s32 s12, s17;
	s16 =	sshrl.u32 s16, $0x3  }
0x12: {  	[tilespmem:s15+$0x0 ss:$0x81] =	vst.msk $0xffff, v1;
	s13 =	sor.u32 $0x400, s13;
	s12 =	sadd.s32 s16, s12  }
0x13: {  	[hbm4b:s12+s13] =	stream.strided.scatter [tilespmem:s14], [sflag:$0x2], $0x2000, s8, s13, $0x20;
	[tilespmem:$0x8080] =	vst v63  }
.LBB1_5:
0x14: {  	s14 =	sadd.s32 $0x1, s9  }
0x15: {  	s12 =	sadd.s32 $0x1000, s10;
	s16 =	smov.u32 s10;
	p2 =	sgt.s32 s14, $0xC7  }
0x16: {  	s16 =	smov.u32 @p2 s12  }
0x17: {  	s14 =	simm.s32 @p2 $0x0;
	p2 =	sgt.s32 s16, $0xFFF  }
0x18: {  	s16 =	smov.u32 @p2 s2;
	p2 =	sne.s32 s11, s7  }
.Ltmp1:
0x19: {  	p1 =	slt.u32 s11, $0x2;
	(pc) =	sbr.rel @!p2 .LBB1_6-.Ltmp1, $4  }
0x1a: {  	s15 =	simm.s32 @!p1 $0x2  }
0x1b: {  	s13 =	smov.u32 s10;
	p0 =	por !p0, !p0;
	_ =	swait.ge @!p1 [sflag:s15], $0x2000  }
0x1c: {  	s12 =	smov.u32 s9;
	[sflag:s15] =	ssyncset.done @!p1 $0x0;
	s9 =	smov.u32 s14  }
0x1d: {  	s11 =	sadd.s32 $0x1, s11;
	[sflag:s15] =	ssyncadd.s32 @!p1 $0xFFFFE000;
	s10 =	smov.u32 s16  }
.LBB1_1:
0x1e: {  	p1 =	sge.u32 s11, s5  }
0x1f: {  	s14 =	sand.u32 @!p1 $0x1FFFFFF, s9  }
0x20: {  	s15 =	smulhi.u32 @!p1 $0x147AE15, s14;
	_ =	sdelay $0x1  }
0x21: {  	s15 =	smul.u32 @!p1 $0xC8, s15  }
0x22: {  	s16 =	sxor.u32 @!p1 $0xFFFFFFFF, s11;
	s17 =	smul.u32 @!p1 $0xC80, s10  }
0x23: {  	s31 =	sadd.s32 $0xFFFFFFFF, s11;
	s16 =	sshll.u32 @!p1 s16, $0xD;
	s14 =	ssub.s32 @!p1 s14, s15  }
0x24: {  	s15 =	sand.u32 @!p1 $0x2000, s16;
	s16 =	sadd.s32 @!p1 s6, s17;
	s14 =	sshll.u32 @!p1 s14, $0x4  }
0x25: {  	s17 =	simm.s32 @!p1 $0x6400;
	s14 =	sadd.s32 @!p1 s14, s16;
	s16 =	simm.s32 @!p1 $0x40  }
0x26: {  	[tilespmem:s15], [sflag:$0x1] =	stream.strided.gather @!p1 [hbm4b:s14+s16], $0x2000, s17, s16, $0x38;
	[tilespmem:$0x8080] =	vst v63  }
0x27: {  	p1 =	sge.u32 s31, s5  }
.Ltmp2:
0x28: {  	_ = 	snop;
	(pc) =	sbr.rel @p1 .LBB1_5-.Ltmp2, $1  }
0x29: {  	_ =	sdelay $0x3  }
0x2a: {  	s14 =	simm.s32 $0x1  }
0x2b: {  	_ =	swait.ge [sflag:s4], $0x2000;
	s14 =	simm.s32 @!p0 $0x0  }
0x2c: {  	[sflag:s4] =	ssyncset.done $0x0;
	s15 =	sshll.u32 s14, $0xD  }
0x2d: {  	[sflag:s4] =	ssyncadd.s32 $0xFFFFE000;
	s18 =	sor.u32 $0x20, s15  }
0x2e: {  	s14 =	smul.u32 $0x8100, s14;
	v3 =	vld [tilespmem:s18+$0x10]  }
0x2f: {  	s30 =	sand.u32 $0x1, s11;
	v2 =	vld [tilespmem:s18+$0xFFFFFFF0]  }
0x30: {  	s15 =	smul.u32 $0x8100, s30;
	s14 =	sshrl.u32 s14, $0x2;
	v0 =	vld [tilespmem:s18+$0x0]  }
0x31: {  	v1 =	vld [tilespmem:s18+$0xFFFFFFE0];
	s16 =	sor.u32 $0x4000, s14  }
0x32: {  	s31 =	sshrl.u32 s15, $0x2;
	s15 =	sadd.s32 $0x0, s16  }
0x33: {  	s17 =	simm.s32 $0x4;
	s18 =	sadd.s32 $0x40, s18;
	s14 =	sor.u32 $0x4000, s31;
	[tilespmem:s15+$0x1830 ss:$0x81] =	vst.msk $0xffff, v3  }
.LBB1_3:
0x34: {  	v3 =	vld [tilespmem:s18+$0x10];
	p1 =	sne.s32 s17, $0x1FC;
	[tilespmem:s15+$0x810 ss:$0x81] =	vst.msk $0xffff, v2;
	s19 =	smov.u32 s17;
	s17 =	sadd.s32 $0x4, s17  }
.Ltmp3:
0x35: {  	v2 =	vld [tilespmem:s18+$0xFFFFFFF0];
	[tilespmem:s15+$0x1020 ss:$0x81] =	vst.msk $0xffff, v0;
	(pc) =	sbr.rel @p1 .LBB1_3-.Ltmp3, $4  }
0x36: {  	v0 =	vld [tilespmem:s18+$0x0];
	[tilespmem:s15+$0x0 ss:$0x81] =	vst.msk $0xffff, v1  }
0x37: {  	s15 =	sshra.s32 s19, $0x2;
	v1 =	vld [tilespmem:s18+$0xFFFFFFE0]  }
0x38: {  	s15 =	sadd.s32 s15, s16  }
0x39: {  	s18 =	sadd.s32 $0x40, s18;
	[tilespmem:s15+$0x1830 ss:$0x81] =	vst.msk $0xffff, v3  }
.Ltmp4:
0x3a: {  	_ = 	snop;
	(pc) =	sbr.rel .LBB1_4-.Ltmp4, $1  }
0x3b: {  	_ =	sdelay $0x3  }
.LBB1_6:
0x3c: {  	_ =	sfence.sel $0x180000  }
0x3d: {  	s2 =	simm.s32 $0x1;
	[bflag:$0x0] =	sbarrier.arrive $0xFFFF  }
0x3e: {  	s31 =	simm.s32 $0x2;
	[sflag:s2] =	ssyncpa.u1 $0x1  }
0x3f: {  	[sflag:s31] =	ssyncpa.u1 $0x1  }
0x40: {  	p0 =	sne.s32 s0, $0x0;
	_ =	strace $0x90000055  }
0x41: {  	s0 =	sadd.s32 @!p0 $0x100000, s1;
	[bflag:$0x2] =	sbarrier.arrive $0xFFFF  }
0x42: {  	[sflag:s0] =	ssyncadd.tile.s32 @!p0 $0x1;
	_ =	shalt  }
.Lfunc_end1:
_tile_overlayer_lowered:
.L_overlay_start_2:
0x43: {  	(tag) =	ssettag $0x2  }
0x44: {  	s0 =	rddreg [dreg:$0x0];
	s2 =	stileid.u32  }
0x45: {  	s1 =	rddreg [dreg:$0x1];
	p0 =	sne.s32 s2, $0x0  }
0x46: {  	s3 =	rddreg [dreg:$0x2];
	[bflag:$0x3] =	sbarrier.arrive $0xFFFF;
	s2 =	simm.s32 @!p0 $0x1C01  }
0x47: {  	[timem:s3], [sflag:s2] =	dma.local @!p0 [hbm:s0], s1  }
0x48: {  	s0 =	simm.s32 @!p0 $0x1  }
0x49: {  	_ =	swait.ge @!p0 [sflag:s0], s1  }
0x4a: {  	s1 =	ssub.s32 @!p0 $0x0, s1;
	[sflag:s0] =	ssyncset.done @!p0 $0x0  }
0x4b: {  	[sflag:s0] =	ssyncadd.s32 @!p0 s1  }
0x4c: {  	[bflag:$0x3] =	sbarrier.arrive $0xFFFF  }
0x4d: {  	_ =	shalt  }

</sc_bundles>
